<compile_context>
chip_gen: v7x
topology: tpu7x:2x2x1
jax: 0.10.2.dev20260603
libtpu: 0.0.44.dev20260713+nightly
codegen_flags: <defaults>
</compile_context>

<pallas_src>
import functools

import jax
import jax.numpy as jnp
from jax import lax
from jax.experimental import pallas as pl
from jax.experimental.pallas import tpu as pltpu
from jax.experimental.pallas import tpu_sc as plsc

N_NODES = 10000
D_FEAT = 128
N_EDGES = 320000

NC = 2
NS = 16
NW = NC * NS

EDGES_PER_W = N_EDGES // NW
CHUNK = 80
N_CHUNKS = EDGES_PER_W // CHUNK

N_PAD = 10240
ROWS_PER_TILE = N_PAD // NS
ZROWS = 32
HROWS = N_PAD // D_FEAT

_LANES = 16


def _sc_body(x_hbm, src_hbm, dst_hbm, eye_hbm, psum_hbm, pcnt_hbm,
             sum_sh, cnt_sh, eye_sh, zbuf,
             src0, dst0, hi0, lo0, rows0, oh0, semx0, seme0, semss0, semsc0,
             src1, dst1, hi1, lo1, rows1, oh1, semx1, seme1, semss1, semsc1):
    c = lax.axis_index("c")
    s = lax.axis_index("s")
    w = s * NC + c

    zeros16 = jnp.zeros((_LANES,), jnp.float32)

    def _zrow(i, carry):
        for blk in range(D_FEAT // _LANES):
            zbuf[i, pl.ds(blk * _LANES, _LANES)] = zeros16
        return carry

    lax.fori_loop(0, ZROWS, _zrow, 0)

    row_base = s * ROWS_PER_TILE
    for k in range(ROWS_PER_TILE // ZROWS):
        pltpu.sync_copy(zbuf, sum_sh.at[pl.ds(row_base + k * ZROWS, ZROWS)])

    @pl.when(s < HROWS // 8)
    def _zero_cnt():
        pltpu.sync_copy(zbuf.at[pl.ds(0, 8)], cnt_sh.at[pl.ds(s * 8, 8)])

    @pl.when(s == NS - 1)
    def _stage_eye():
        pltpu.sync_copy(eye_hbm, eye_sh)

    plsc.subcore_barrier()

    edge_base = w * EDGES_PER_W
    bufs = (
        (src0, dst0, hi0, lo0, rows0, oh0, semx0, seme0, semss0, semsc0),
        (src1, dst1, hi1, lo1, rows1, oh1, semx1, seme1, semss1, semsc1),
    )

    def _wait_scatters(buf):
        src_v, dst_v, hi_v, lo_v, rows_v, oh_v, semx, seme, semss, semsc = buf
        pltpu.make_async_copy(rows_v, sum_sh.at[dst_v], semss).wait()
        pltpu.make_async_copy(oh_v, cnt_sh.at[hi_v], semsc).wait()

    def _issue(i, buf, first):
        src_v, dst_v, hi_v, lo_v, rows_v, oh_v, semx, seme, semss, semsc = buf
        if not first:
            @pl.when(i >= 2)
            def _():
                _wait_scatters(buf)
        off = edge_base + i * CHUNK
        pltpu.sync_copy(src_hbm.at[pl.ds(off, CHUNK)], src_v)
        pltpu.sync_copy(dst_hbm.at[pl.ds(off, CHUNK)], dst_v)
        for j in range(CHUNK // _LANES):
            dst16 = dst_v[pl.ds(j * _LANES, _LANES)]
            hi_v[pl.ds(j * _LANES, _LANES)] = dst16 >> 7
            lo_v[pl.ds(j * _LANES, _LANES)] = dst16 & 127
        pltpu.async_copy(x_hbm.at[src_v], rows_v, semx)
        pltpu.async_copy(eye_sh.at[lo_v], oh_v, seme)

    def _drain(buf):
        src_v, dst_v, hi_v, lo_v, rows_v, oh_v, semx, seme, semss, semsc = buf
        pltpu.make_async_copy(x_hbm.at[src_v], rows_v, semx).wait()
        pltpu.async_copy(rows_v, sum_sh.at[dst_v], semss, add=True)
        pltpu.make_async_copy(eye_sh.at[lo_v], oh_v, seme).wait()
        pltpu.async_copy(oh_v, cnt_sh.at[hi_v], semsc, add=True)

    _issue(0, bufs[0], True)

    def _pair(g, carry):
        i0 = 2 * g
        _issue(i0 + 1, bufs[1], False)
        _drain(bufs[0])
        _issue(i0 + 2, bufs[0], False)
        _drain(bufs[1])
        return carry

    lax.fori_loop(0, (N_CHUNKS - 1) // 2, _pair, 0)
    _drain(bufs[0])
    _wait_scatters(bufs[1])
    _wait_scatters(bufs[0])
    plsc.subcore_barrier()

    pltpu.sync_copy(sum_sh.at[pl.ds(row_base, ROWS_PER_TILE)],
                    psum_hbm.at[c, pl.ds(row_base, ROWS_PER_TILE)])

    @pl.when(s < HROWS // 8)
    def _dump_cnt():
        pltpu.sync_copy(cnt_sh.at[pl.ds(s * 8, 8)],
                        pcnt_hbm.at[c, pl.ds(s * 8, 8)])


@functools.cache
def _get_sc_call():
    return functools.partial(
        pl.kernel,
        mesh=plsc.VectorSubcoreMesh(core_axis_name="c", subcore_axis_name="s"),
        out_type=[
            jax.ShapeDtypeStruct((NC, N_PAD, D_FEAT), jnp.float32),
            jax.ShapeDtypeStruct((NC, HROWS, D_FEAT), jnp.float32),
        ],
        scratch_types=[
            pltpu.VMEM_SHARED((N_PAD, D_FEAT), jnp.float32),
            pltpu.VMEM_SHARED((HROWS, D_FEAT), jnp.float32),
            pltpu.VMEM_SHARED((D_FEAT, D_FEAT), jnp.float32),
            pltpu.VMEM((ZROWS, D_FEAT), jnp.float32),
        ] + 2 * [
            pltpu.VMEM((CHUNK,), jnp.int32),
            pltpu.VMEM((CHUNK,), jnp.int32),
            pltpu.VMEM((CHUNK,), jnp.int32),
            pltpu.VMEM((CHUNK,), jnp.int32),
            pltpu.VMEM((CHUNK, D_FEAT), jnp.float32),
            pltpu.VMEM((CHUNK, D_FEAT), jnp.float32),
            pltpu.SemaphoreType.DMA,
            pltpu.SemaphoreType.DMA,
            pltpu.SemaphoreType.DMA,
            pltpu.SemaphoreType.DMA,
        ],
    )(_sc_body)


_ROWS_BLK = 400


def _divide_body(p0_ref, p1_ref, c0_ref, c1_ref, out_ref):
    cnt = c0_ref[...] + c1_ref[...]
    out_ref[...] = (p0_ref[...] + p1_ref[...]) / jnp.maximum(cnt, 1.0)


def kernel(X, edge_index):
    src = edge_index[0]
    dst = edge_index[1]
    eye = jnp.eye(D_FEAT, dtype=jnp.float32)
    psum, pcnt = _get_sc_call()(X, src, dst, eye)
    c0 = pcnt[0].reshape(N_PAD, 1)
    c1 = pcnt[1].reshape(N_PAD, 1)
    out = pl.pallas_call(
        _divide_body,
        grid=(N_NODES // _ROWS_BLK,),
        in_specs=[
            pl.BlockSpec((_ROWS_BLK, D_FEAT), lambda i: (i, 0)),
            pl.BlockSpec((_ROWS_BLK, D_FEAT), lambda i: (i, 0)),
            pl.BlockSpec((_ROWS_BLK, 1), lambda i: (i, 0)),
            pl.BlockSpec((_ROWS_BLK, 1), lambda i: (i, 0)),
        ],
        out_specs=pl.BlockSpec((_ROWS_BLK, D_FEAT), lambda i: (i, 0)),
        out_shape=jax.ShapeDtypeStruct((N_NODES, D_FEAT), jnp.float32),
    )(psum[0], psum[1], c0, c1)
    return out

# --- scband reference (transcript-rebuilt; emitter-appended) ---
"""Pipeline reference for scband-graph-layer-12206297055245 (READ-ONLY COPY).

The authoritative reference and input builder live on the scoring server;
editing this copy changes nothing except your own understanding.
"""

import jax, jax.numpy as jnp
import numpy as np

N_NODES = 10000
D_FEAT = 128
N_EDGES = 320000


def setup_inputs(seed: int = 0) -> dict:
    key = jax.random.key(seed)
    k1, k2 = jax.random.split(key)
    X = jax.random.normal(k1, (N_NODES, D_FEAT), dtype=jnp.float32)
    edge_index = jax.random.randint(k2, (2, N_EDGES), 0, N_NODES, dtype=jnp.int32)
    return {"X": X, "edge_index": edge_index}


def reference(X, edge_index):
    # GraphLayer with layer_type=SimpleConv, aggr='mean':
    # out_i = mean_{(j -> i) in E} x_j  (zero-degree nodes get 0)
    src = edge_index[0]
    dst = edge_index[1]
    msgs = jnp.take(X, src, axis=0)                      # gather: [E, d]
    summed = jax.ops.segment_sum(msgs, dst, num_segments=X.shape[0])   # scatter-add
    count = jax.ops.segment_sum(jnp.ones((src.shape[0],), dtype=X.dtype), dst,
                                num_segments=X.shape[0])
    out = summed / jnp.maximum(count, 1.0)[:, None]
    return out

if __name__ == "__main__":
    import jax
    _d = setup_inputs()
    print(jax.jit(kernel)(*tuple(_d.values())))

</pallas_src>

<mosaic_0001>
#map = affine_map<(d0, d1) -> (0, 0)>
#map1 = affine_map<(d0, d1) -> (0)>
#map2 = affine_map<(d0, d1) -> (0, 0, 0)>
module attributes {stable_mosaic.version = 14 : i64} {
  func.func @_sc_body(%arg0: i32, %arg1: i32, %arg2: memref<10000x128xf32, #tpu.memory_space<hbm>>, %arg3: memref<320000xi32, #tpu.memory_space<hbm>>, %arg4: memref<320000xi32, #tpu.memory_space<hbm>>, %arg5: memref<128x128xf32, #tpu.memory_space<hbm>>, %arg6: memref<2x10240x128xf32, #tpu.memory_space<hbm>>, %arg7: memref<2x80x128xf32, #tpu.memory_space<hbm>>, %arg8: memref<10240x128xf32, #tpu.memory_space<vmem_shared>>, %arg9: memref<80x128xf32, #tpu.memory_space<vmem_shared>>, %arg10: memref<128x128xf32, #tpu.memory_space<vmem_shared>>, %arg11: memref<32x128xf32, #tpu.memory_space<vmem>>, %arg12: memref<80xi32, #tpu.memory_space<vmem>>, %arg13: memref<80xi32, #tpu.memory_space<vmem>>, %arg14: memref<80xi32, #tpu.memory_space<vmem>>, %arg15: memref<80xi32, #tpu.memory_space<vmem>>, %arg16: memref<80x128xf32, #tpu.memory_space<vmem>>, %arg17: memref<80x128xf32, #tpu.memory_space<vmem>>, %arg18: memref<!tpu.dma_semaphore, #tpu.memory_space<semaphore_mem>>, %arg19: memref<!tpu.dma_semaphore, #tpu.memory_space<semaphore_mem>>, %arg20: memref<!tpu.dma_semaphore, #tpu.memory_space<semaphore_mem>>, %arg21: memref<!tpu.dma_semaphore, #tpu.memory_space<semaphore_mem>>, %arg22: memref<80xi32, #tpu.memory_space<vmem>>, %arg23: memref<80xi32, #tpu.memory_space<vmem>>, %arg24: memref<80xi32, #tpu.memory_space<vmem>>, %arg25: memref<80xi32, #tpu.memory_space<vmem>>, %arg26: memref<80x128xf32, #tpu.memory_space<vmem>>, %arg27: memref<80x128xf32, #tpu.memory_space<vmem>>, %arg28: memref<!tpu.dma_semaphore, #tpu.memory_space<semaphore_mem>>, %arg29: memref<!tpu.dma_semaphore, #tpu.memory_space<semaphore_mem>>, %arg30: memref<!tpu.dma_semaphore, #tpu.memory_space<semaphore_mem>>, %arg31: memref<!tpu.dma_semaphore, #tpu.memory_space<semaphore_mem>>) attributes {dimension_semantics = [#tpu.dimension_semantics<core_parallel>, #tpu.dimension_semantics<subcore_parallel>], iteration_bounds = array<i64: 2, 16>, scalar_prefetch = 0 : i64, scratch_operands = 24 : i64, tpu.core_type = #tpu.core_type<sc_vector_subcore>, window_params = [{transform_indices = #map}, {transform_indices = #map1}, {transform_indices = #map1}, {transform_indices = #map}, {transform_indices = #map2}, {transform_indices = #map2}]} {
    %mul3A = arith.constant 2 : i32
    %mul3A_0 = arith.muli %arg1, %mul3A : i32
    %add3A = arith.addi %mul3A_0, %arg0 : i32
    %broadcast_in_dim3A = arith.constant 0.000000e+00 : f32
    %broadcast_in_dim3A_1 = vector.broadcast %broadcast_in_dim3A : f32 to vector<16xf32>
    %scan3A = arith.constant 0 : i32
    %scan3A_2 = arith.constant 0 : i32
    %scan3A_3 = arith.constant 32 : i32
    %scan3A_4 = arith.addi %scan3A_2, %scan3A_3 : i32
    %scan3A_5 = arith.constant 1 : i32
    scf.for %scan3A_180 = %scan3A_2 to %scan3A_4 step %scan3A_5  : i32 {
      %swap3A_181 = arith.index_cast %scan3A_180 : i32 to index
      %swap3A_182 = arith.constant 0 : index
      %swap3A_183 = tpu.vector_load %arg11[%swap3A_181, %swap3A_182] {strides = array<i32>} : memref<32x128xf32, #tpu.memory_space<vmem>>, vector<1x16xf32>,
      %swap3A_184 = vector.shape_cast %swap3A_183 : vector<1x16xf32> to vector<16xf32>
      %swap3A_185 = vector.shape_cast %broadcast_in_dim3A_1 : vector<16xf32> to vector<1x16xf32>
      tpu.vector_store %arg11[%swap3A_181, %swap3A_182], %swap3A_185 {strides = array<i32>} : memref<32x128xf32, #tpu.memory_space<vmem>>, vector<1x16xf32>,
      %swap3A_186 = arith.index_cast %scan3A_180 : i32 to index
      %swap3A_187 = arith.constant 16 : index
      %swap3A_188 = tpu.vector_load %arg11[%swap3A_186, %swap3A_187] {strides = array<i32>} : memref<32x128xf32, #tpu.memory_space<vmem>>, vector<1x16xf32>,
      %swap3A_189 = vector.shape_cast %swap3A_188 : vector<1x16xf32> to vector<16xf32>
      %swap3A_190 = vector.shape_cast %broadcast_in_dim3A_1 : vector<16xf32> to vector<1x16xf32>
      tpu.vector_store %arg11[%swap3A_186, %swap3A_187], %swap3A_190 {strides = array<i32>} : memref<32x128xf32, #tpu.memory_space<vmem>>, vector<1x16xf32>,
      %swap3A_191 = arith.index_cast %scan3A_180 : i32 to index
      %swap3A_192 = arith.constant 32 : index
      %swap3A_193 = tpu.vector_load %arg11[%swap3A_191, %swap3A_192] {strides = array<i32>} : memref<32x128xf32, #tpu.memory_space<vmem>>, vector<1x16xf32>,
      %swap3A_194 = vector.shape_cast %swap3A_193 : vector<1x16xf32> to vector<16xf32>
      %swap3A_195 = vector.shape_cast %broadcast_in_dim3A_1 : vector<16xf32> to vector<1x16xf32>
      tpu.vector_store %arg11[%swap3A_191, %swap3A_192], %swap3A_195 {strides = array<i32>} : memref<32x128xf32, #tpu.memory_space<vmem>>, vector<1x16xf32>,
      %swap3A_196 = arith.index_cast %scan3A_180 : i32 to index
      %swap3A_197 = arith.constant 48 : index
      %swap3A_198 = tpu.vector_load %arg11[%swap3A_196, %swap3A_197] {strides = array<i32>} : memref<32x128xf32, #tpu.memory_space<vmem>>, vector<1x16xf32>,
      %swap3A_199 = vector.shape_cast %swap3A_198 : vector<1x16xf32> to vector<16xf32>
      %swap3A_200 = vector.shape_cast %broadcast_in_dim3A_1 : vector<16xf32> to vector<1x16xf32>
      tpu.vector_store %arg11[%swap3A_196, %swap3A_197], %swap3A_200 {strides = array<i32>} : memref<32x128xf32, #tpu.memory_space<vmem>>, vector<1x16xf32>,
      %swap3A_201 = arith.index_cast %scan3A_180 : i32 to index
      %swap3A_202 = arith.constant 64 : index
      %swap3A_203 = tpu.vector_load %arg11[%swap3A_201, %swap3A_202] {strides = array<i32>} : memref<32x128xf32, #tpu.memory_space<vmem>>, vector<1x16xf32>,
      %swap3A_204 = vector.shape_cast %swap3A_203 : vector<1x16xf32> to vector<16xf32>
      %swap3A_205 = vector.shape_cast %broadcast_in_dim3A_1 : vector<16xf32> to vector<1x16xf32>
      tpu.vector_store %arg11[%swap3A_201, %swap3A_202], %swap3A_205 {strides = array<i32>} : memref<32x128xf32, #tpu.memory_space<vmem>>, vector<1x16xf32>,
      %swap3A_206 = arith.index_cast %scan3A_180 : i32 to index
      %swap3A_207 = arith.constant 80 : index
      %swap3A_208 = tpu.vector_load %arg11[%swap3A_206, %swap3A_207] {strides = array<i32>} : memref<32x128xf32, #tpu.memory_space<vmem>>, vector<1x16xf32>,
      %swap3A_209 = vector.shape_cast %swap3A_208 : vector<1x16xf32> to vector<16xf32>
      %swap3A_210 = vector.shape_cast %broadcast_in_dim3A_1 : vector<16xf32> to vector<1x16xf32>
      tpu.vector_store %arg11[%swap3A_206, %swap3A_207], %swap3A_210 {strides = array<i32>} : memref<32x128xf32, #tpu.memory_space<vmem>>, vector<1x16xf32>,
      %swap3A_211 = arith.index_cast %scan3A_180 : i32 to index
      %swap3A_212 = arith.constant 96 : index
      %swap3A_213 = tpu.vector_load %arg11[%swap3A_211, %swap3A_212] {strides = array<i32>} : memref<32x128xf32, #tpu.memory_space<vmem>>, vector<1x16xf32>,
      %swap3A_214 = vector.shape_cast %swap3A_213 : vector<1x16xf32> to vector<16xf32>
      %swap3A_215 = vector.shape_cast %broadcast_in_dim3A_1 : vector<16xf32> to vector<1x16xf32>
      tpu.vector_store %arg11[%swap3A_211, %swap3A_212], %swap3A_215 {strides = array<i32>} : memref<32x128xf32, #tpu.memory_space<vmem>>, vector<1x16xf32>,
      %swap3A_216 = arith.index_cast %scan3A_180 : i32 to index
      %swap3A_217 = arith.constant 112 : index
      %swap3A_218 = tpu.vector_load %arg11[%swap3A_216, %swap3A_217] {strides = array<i32>} : memref<32x128xf32, #tpu.memory_space<vmem>>, vector<1x16xf32>,
      %swap3A_219 = vector.shape_cast %swap3A_218 : vector<1x16xf32> to vector<16xf32>
      %swap3A_220 = vector.shape_cast %broadcast_in_dim3A_1 : vector<16xf32> to vector<1x16xf32>
      tpu.vector_store %arg11[%swap3A_216, %swap3A_217], %swap3A_220 {strides = array<i32>} : memref<32x128xf32, #tpu.memory_space<vmem>>, vector<1x16xf32>,
    }
    %scan3A_6 = arith.constant 32 : i32
    %mul3A_7 = arith.constant 640 : i32
    %mul3A_8 = arith.muli %arg1, %mul3A_7 : i32
    %add3A_9 = arith.constant 0 : i32
    %add3A_10 = arith.addi %mul3A_8, %add3A_9 : i32
    "tpu.region"() ({
      %run_scoped3A = tpu.sem_alloc : memref<!tpu.dma_semaphore, #tpu.memory_space<semaphore_mem>>
      %dma_start3A_180 = arith.constant 0 : i32
      %dma_start3A_181 = tpu.memref_slice %arg8[%add3A_10, %dma_start3A_180] : memref<10240x128xf32, #tpu.memory_space<vmem_shared>> -> memref<32x128xf32, #tpu.memory_space<vmem_shared>>
      %dma_start3A_182 = arith.constant 0 : i32
      %dma_start3A_183 = tpu.memref_slice %arg8[%add3A_10, %dma_start3A_182] : memref<10240x128xf32, #tpu.memory_space<vmem_shared>> -> memref<32x128xf32, #tpu.memory_space<vmem_shared>>
      tpu.enqueue_dma source(%arg11 : memref<32x128xf32, #tpu.memory_space<vmem>>) target(%dma_start3A_183 : memref<32x128xf32, #tpu.memory_space<vmem_shared>>) target_semaphore(%run_scoped3A : memref<!tpu.dma_semaphore, #tpu.memory_space<semaphore_mem>>)
      %dma_wait3A_184 = arith.constant 0 : i32
      %dma_wait3A_185 = tpu.memref_slice %arg8[%add3A_10, %dma_wait3A_184] : memref<10240x128xf32, #tpu.memory_space<vmem_shared>> -> memref<32x128xf32, #tpu.memory_space<vmem_shared>>
      %dma_wait3A_186 = arith.constant 0 : i32
      %dma_wait3A_187 = tpu.memref_slice %arg8[%add3A_10, %dma_wait3A_186] : memref<10240x128xf32, #tpu.memory_space<vmem_shared>> -> memref<32x128xf32, #tpu.memory_space<vmem_shared>>
      tpu.wait_dma2 semaphore(%run_scoped3A : memref<!tpu.dma_semaphore, #tpu.memory_space<semaphore_mem>>) src(%arg11 : memref<32x128xf32, #tpu.memory_space<vmem>>) dst(%dma_wait3A_187 : memref<32x128xf32, #tpu.memory_space<vmem_shared>>)
      tpu.yield
    }) : () -> ()
    %add3A_11 = arith.constant 32 : i32
    %add3A_12 = arith.addi %mul3A_8, %add3A_11 : i32
    "tpu.region"() ({
      %run_scoped3A = tpu.sem_alloc : memref<!tpu.dma_semaphore, #tpu.memory_space<semaphore_mem>>
      %dma_start3A_180 = arith.constant 0 : i32
      %dma_start3A_181 = tpu.memref_slice %arg8[%add3A_12, %dma_start3A_180] : memref<10240x128xf32, #tpu.memory_space<vmem_shared>> -> memref<32x128xf32, #tpu.memory_space<vmem_shared>>
      %dma_start3A_182 = arith.constant 0 : i32
      %dma_start3A_183 = tpu.memref_slice %arg8[%add3A_12, %dma_start3A_182] : memref<10240x128xf32, #tpu.memory_space<vmem_shared>> -> memref<32x128xf32, #tpu.memory_space<vmem_shared>>
      tpu.enqueue_dma source(%arg11 : memref<32x128xf32, #tpu.memory_space<vmem>>) target(%dma_start3A_183 : memref<32x128xf32, #tpu.memory_space<vmem_shared>>) target_semaphore(%run_scoped3A : memref<!tpu.dma_semaphore, #tpu.memory_space<semaphore_mem>>)
      %dma_wait3A_184 = arith.constant 0 : i32
      %dma_wait3A_185 = tpu.memref_slice %arg8[%add3A_12, %dma_wait3A_184] : memref<10240x128xf32, #tpu.memory_space<vmem_shared>> -> memref<32x128xf32, #tpu.memory_space<vmem_shared>>
      %dma_wait3A_186 = arith.constant 0 : i32
      %dma_wait3A_187 = tpu.memref_slice %arg8[%add3A_12, %dma_wait3A_186] : memref<10240x128xf32, #tpu.memory_space<vmem_shared>> -> memref<32x128xf32, #tpu.memory_space<vmem_shared>>
      tpu.wait_dma2 semaphore(%run_scoped3A : memref<!tpu.dma_semaphore, #tpu.memory_space<semaphore_mem>>) src(%arg11 : memref<32x128xf32, #tpu.memory_space<vmem>>) dst(%dma_wait3A_187 : memref<32x128xf32, #tpu.memory_space<vmem_shared>>)
      tpu.yield
    }) : () -> ()
    %add3A_13 = arith.constant 64 : i32
    %add3A_14 = arith.addi %mul3A_8, %add3A_13 : i32
    "tpu.region"() ({
      %run_scoped3A = tpu.sem_alloc : memref<!tpu.dma_semaphore, #tpu.memory_space<semaphore_mem>>
      %dma_start3A_180 = arith.constant 0 : i32
      %dma_start3A_181 = tpu.memref_slice %arg8[%add3A_14, %dma_start3A_180] : memref<10240x128xf32, #tpu.memory_space<vmem_shared>> -> memref<32x128xf32, #tpu.memory_space<vmem_shared>>
      %dma_start3A_182 = arith.constant 0 : i32
      %dma_start3A_183 = tpu.memref_slice %arg8[%add3A_14, %dma_start3A_182] : memref<10240x128xf32, #tpu.memory_space<vmem_shared>> -> memref<32x128xf32, #tpu.memory_space<vmem_shared>>
      tpu.enqueue_dma source(%arg11 : memref<32x128xf32, #tpu.memory_space<vmem>>) target(%dma_start3A_183 : memref<32x128xf32, #tpu.memory_space<vmem_shared>>) target_semaphore(%run_scoped3A : memref<!tpu.dma_semaphore, #tpu.memory_space<semaphore_mem>>)
      %dma_wait3A_184 = arith.constant 0 : i32
      %dma_wait3A_185 = tpu.memref_slice %arg8[%add3A_14, %dma_wait3A_184] : memref<10240x128xf32, #tpu.memory_space<vmem_shared>> -> memref<32x128xf32, #tpu.memory_space<vmem_shared>>
      %dma_wait3A_186 = arith.constant 0 : i32
      %dma_wait3A_187 = tpu.memref_slice %arg8[%add3A_14, %dma_wait3A_186] : memref<10240x128xf32, #tpu.memory_space<vmem_shared>> -> memref<32x128xf32, #tpu.memory_space<vmem_shared>>
      tpu.wait_dma2 semaphore(%run_scoped3A : memref<!tpu.dma_semaphore, #tpu.memory_space<semaphore_mem>>) src(%arg11 : memref<32x128xf32, #tpu.memory_space<vmem>>) dst(%dma_wait3A_187 : memref<32x128xf32, #tpu.memory_space<vmem_shared>>)
      tpu.yield
    }) : () -> ()
    %add3A_15 = arith.constant 96 : i32
    %add3A_16 = arith.addi %mul3A_8, %add3A_15 : i32
    "tpu.region"() ({
      %run_scoped3A = tpu.sem_alloc : memref<!tpu.dma_semaphore, #tpu.memory_space<semaphore_mem>>
      %dma_start3A_180 = arith.constant 0 : i32
      %dma_start3A_181 = tpu.memref_slice %arg8[%add3A_16, %dma_start3A_180] : memref<10240x128xf32, #tpu.memory_space<vmem_shared>> -> memref<32x128xf32, #tpu.memory_space<vmem_shared>>
      %dma_start3A_182 = arith.constant 0 : i32
      %dma_start3A_183 = tpu.memref_slice %arg8[%add3A_16, %dma_start3A_182] : memref<10240x128xf32, #tpu.memory_space<vmem_shared>> -> memref<32x128xf32, #tpu.memory_space<vmem_shared>>
      tpu.enqueue_dma source(%arg11 : memref<32x128xf32, #tpu.memory_space<vmem>>) target(%dma_start3A_183 : memref<32x128xf32, #tpu.memory_space<vmem_shared>>) target_semaphore(%run_scoped3A : memref<!tpu.dma_semaphore, #tpu.memory_space<semaphore_mem>>)
      %dma_wait3A_184 = arith.constant 0 : i32
      %dma_wait3A_185 = tpu.memref_slice %arg8[%add3A_16, %dma_wait3A_184] : memref<10240x128xf32, #tpu.memory_space<vmem_shared>> -> memref<32x128xf32, #tpu.memory_space<vmem_shared>>
      %dma_wait3A_186 = arith.constant 0 : i32
      %dma_wait3A_187 = tpu.memref_slice %arg8[%add3A_16, %dma_wait3A_186] : memref<10240x128xf32, #tpu.memory_space<vmem_shared>> -> memref<32x128xf32, #tpu.memory_space<vmem_shared>>
      tpu.wait_dma2 semaphore(%run_scoped3A : memref<!tpu.dma_semaphore, #tpu.memory_space<semaphore_mem>>) src(%arg11 : memref<32x128xf32, #tpu.memory_space<vmem>>) dst(%dma_wait3A_187 : memref<32x128xf32, #tpu.memory_space<vmem_shared>>)
      tpu.yield
    }) : () -> ()
    %add3A_17 = arith.constant 128 : i32
    %add3A_18 = arith.addi %mul3A_8, %add3A_17 : i32
    "tpu.region"() ({
      %run_scoped3A = tpu.sem_alloc : memref<!tpu.dma_semaphore, #tpu.memory_space<semaphore_mem>>
      %dma_start3A_180 = arith.constant 0 : i32
      %dma_start3A_181 = tpu.memref_slice %arg8[%add3A_18, %dma_start3A_180] : memref<10240x128xf32, #tpu.memory_space<vmem_shared>> -> memref<32x128xf32, #tpu.memory_space<vmem_shared>>
      %dma_start3A_182 = arith.constant 0 : i32
      %dma_start3A_183 = tpu.memref_slice %arg8[%add3A_18, %dma_start3A_182] : memref<10240x128xf32, #tpu.memory_space<vmem_shared>> -> memref<32x128xf32, #tpu.memory_space<vmem_shared>>
      tpu.enqueue_dma source(%arg11 : memref<32x128xf32, #tpu.memory_space<vmem>>) target(%dma_start3A_183 : memref<32x128xf32, #tpu.memory_space<vmem_shared>>) target_semaphore(%run_scoped3A : memref<!tpu.dma_semaphore, #tpu.memory_space<semaphore_mem>>)
      %dma_wait3A_184 = arith.constant 0 : i32
      %dma_wait3A_185 = tpu.memref_slice %arg8[%add3A_18, %dma_wait3A_184] : memref<10240x128xf32, #tpu.memory_space<vmem_shared>> -> memref<32x128xf32, #tpu.memory_space<vmem_shared>>
      %dma_wait3A_186 = arith.constant 0 : i32
      %dma_wait3A_187 = tpu.memref_slice %arg8[%add3A_18, %dma_wait3A_186] : memref<10240x128xf32, #tpu.memory_space<vmem_shared>> -> memref<32x128xf32, #tpu.memory_space<vmem_shared>>
      tpu.wait_dma2 semaphore(%run_scoped3A : memref<!tpu.dma_semaphore, #tpu.memory_space<semaphore_mem>>) src(%arg11 : memref<32x128xf32, #tpu.memory_space<vmem>>) dst(%dma_wait3A_187 : memref<32x128xf32, #tpu.memory_space<vmem_shared>>)
      tpu.yield
    }) : () -> ()
    %add3A_19 = arith.constant 160 : i32
    %add3A_20 = arith.addi %mul3A_8, %add3A_19 : i32
    "tpu.region"() ({
      %run_scoped3A = tpu.sem_alloc : memref<!tpu.dma_semaphore, #tpu.memory_space<semaphore_mem>>
      %dma_start3A_180 = arith.constant 0 : i32
      %dma_start3A_181 = tpu.memref_slice %arg8[%add3A_20, %dma_start3A_180] : memref<10240x128xf32, #tpu.memory_space<vmem_shared>> -> memref<32x128xf32, #tpu.memory_space<vmem_shared>>
      %dma_start3A_182 = arith.constant 0 : i32
      %dma_start3A_183 = tpu.memref_slice %arg8[%add3A_20, %dma_start3A_182] : memref<10240x128xf32, #tpu.memory_space<vmem_shared>> -> memref<32x128xf32, #tpu.memory_space<vmem_shared>>
      tpu.enqueue_dma source(%arg11 : memref<32x128xf32, #tpu.memory_space<vmem>>) target(%dma_start3A_183 : memref<32x128xf32, #tpu.memory_space<vmem_shared>>) target_semaphore(%run_scoped3A : memref<!tpu.dma_semaphore, #tpu.memory_space<semaphore_mem>>)
      %dma_wait3A_184 = arith.constant 0 : i32
      %dma_wait3A_185 = tpu.memref_slice %arg8[%add3A_20, %dma_wait3A_184] : memref<10240x128xf32, #tpu.memory_space<vmem_shared>> -> memref<32x128xf32, #tpu.memory_space<vmem_shared>>
      %dma_wait3A_186 = arith.constant 0 : i32
      %dma_wait3A_187 = tpu.memref_slice %arg8[%add3A_20, %dma_wait3A_186] : memref<10240x128xf32, #tpu.memory_space<vmem_shared>> -> memref<32x128xf32, #tpu.memory_space<vmem_shared>>
      tpu.wait_dma2 semaphore(%run_scoped3A : memref<!tpu.dma_semaphore, #tpu.memory_space<semaphore_mem>>) src(%arg11 : memref<32x128xf32, #tpu.memory_space<vmem>>) dst(%dma_wait3A_187 : memref<32x128xf32, #tpu.memory_space<vmem_shared>>)
      tpu.yield
    }) : () -> ()
    %add3A_21 = arith.constant 192 : i32
    %add3A_22 = arith.addi %mul3A_8, %add3A_21 : i32
    "tpu.region"() ({
      %run_scoped3A = tpu.sem_alloc : memref<!tpu.dma_semaphore, #tpu.memory_space<semaphore_mem>>
      %dma_start3A_180 = arith.constant 0 : i32
      %dma_start3A_181 = tpu.memref_slice %arg8[%add3A_22, %dma_start3A_180] : memref<10240x128xf32, #tpu.memory_space<vmem_shared>> -> memref<32x128xf32, #tpu.memory_space<vmem_shared>>
      %dma_start3A_182 = arith.constant 0 : i32
      %dma_start3A_183 = tpu.memref_slice %arg8[%add3A_22, %dma_start3A_182] : memref<10240x128xf32, #tpu.memory_space<vmem_shared>> -> memref<32x128xf32, #tpu.memory_space<vmem_shared>>
      tpu.enqueue_dma source(%arg11 : memref<32x128xf32, #tpu.memory_space<vmem>>) target(%dma_start3A_183 : memref<32x128xf32, #tpu.memory_space<vmem_shared>>) target_semaphore(%run_scoped3A : memref<!tpu.dma_semaphore, #tpu.memory_space<semaphore_mem>>)
      %dma_wait3A_184 = arith.constant 0 : i32
      %dma_wait3A_185 = tpu.memref_slice %arg8[%add3A_22, %dma_wait3A_184] : memref<10240x128xf32, #tpu.memory_space<vmem_shared>> -> memref<32x128xf32, #tpu.memory_space<vmem_shared>>
      %dma_wait3A_186 = arith.constant 0 : i32
      %dma_wait3A_187 = tpu.memref_slice %arg8[%add3A_22, %dma_wait3A_186] : memref<10240x128xf32, #tpu.memory_space<vmem_shared>> -> memref<32x128xf32, #tpu.memory_space<vmem_shared>>
      tpu.wait_dma2 semaphore(%run_scoped3A : memref<!tpu.dma_semaphore, #tpu.memory_space<semaphore_mem>>) src(%arg11 : memref<32x128xf32, #tpu.memory_space<vmem>>) dst(%dma_wait3A_187 : memref<32x128xf32, #tpu.memory_space<vmem_shared>>)
      tpu.yield
    }) : () -> ()
    %add3A_23 = arith.constant 224 : i32
    %add3A_24 = arith.addi %mul3A_8, %add3A_23 : i32
    "tpu.region"() ({
      %run_scoped3A = tpu.sem_alloc : memref<!tpu.dma_semaphore, #tpu.memory_space<semaphore_mem>>
      %dma_start3A_180 = arith.constant 0 : i32
      %dma_start3A_181 = tpu.memref_slice %arg8[%add3A_24, %dma_start3A_180] : memref<10240x128xf32, #tpu.memory_space<vmem_shared>> -> memref<32x128xf32, #tpu.memory_space<vmem_shared>>
      %dma_start3A_182 = arith.constant 0 : i32
      %dma_start3A_183 = tpu.memref_slice %arg8[%add3A_24, %dma_start3A_182] : memref<10240x128xf32, #tpu.memory_space<vmem_shared>> -> memref<32x128xf32, #tpu.memory_space<vmem_shared>>
      tpu.enqueue_dma source(%arg11 : memref<32x128xf32, #tpu.memory_space<vmem>>) target(%dma_start3A_183 : memref<32x128xf32, #tpu.memory_space<vmem_shared>>) target_semaphore(%run_scoped3A : memref<!tpu.dma_semaphore, #tpu.memory_space<semaphore_mem>>)
      %dma_wait3A_184 = arith.constant 0 : i32
      %dma_wait3A_185 = tpu.memref_slice %arg8[%add3A_24, %dma_wait3A_184] : memref<10240x128xf32, #tpu.memory_space<vmem_shared>> -> memref<32x128xf32, #tpu.memory_space<vmem_shared>>
      %dma_wait3A_186 = arith.constant 0 : i32
      %dma_wait3A_187 = tpu.memref_slice %arg8[%add3A_24, %dma_wait3A_186] : memref<10240x128xf32, #tpu.memory_space<vmem_shared>> -> memref<32x128xf32, #tpu.memory_space<vmem_shared>>
      tpu.wait_dma2 semaphore(%run_scoped3A : memref<!tpu.dma_semaphore, #tpu.memory_space<semaphore_mem>>) src(%arg11 : memref<32x128xf32, #tpu.memory_space<vmem>>) dst(%dma_wait3A_187 : memref<32x128xf32, #tpu.memory_space<vmem_shared>>)
      tpu.yield
    }) : () -> ()
    %add3A_25 = arith.constant 256 : i32
    %add3A_26 = arith.addi %mul3A_8, %add3A_25 : i32
    "tpu.region"() ({
      %run_scoped3A = tpu.sem_alloc : memref<!tpu.dma_semaphore, #tpu.memory_space<semaphore_mem>>
      %dma_start3A_180 = arith.constant 0 : i32
      %dma_start3A_181 = tpu.memref_slice %arg8[%add3A_26, %dma_start3A_180] : memref<10240x128xf32, #tpu.memory_space<vmem_shared>> -> memref<32x128xf32, #tpu.memory_space<vmem_shared>>
      %dma_start3A_182 = arith.constant 0 : i32
      %dma_start3A_183 = tpu.memref_slice %arg8[%add3A_26, %dma_start3A_182] : memref<10240x128xf32, #tpu.memory_space<vmem_shared>> -> memref<32x128xf32, #tpu.memory_space<vmem_shared>>
      tpu.enqueue_dma source(%arg11 : memref<32x128xf32, #tpu.memory_space<vmem>>) target(%dma_start3A_183 : memref<32x128xf32, #tpu.memory_space<vmem_shared>>) target_semaphore(%run_scoped3A : memref<!tpu.dma_semaphore, #tpu.memory_space<semaphore_mem>>)
      %dma_wait3A_184 = arith.constant 0 : i32
      %dma_wait3A_185 = tpu.memref_slice %arg8[%add3A_26, %dma_wait3A_184] : memref<10240x128xf32, #tpu.memory_space<vmem_shared>> -> memref<32x128xf32, #tpu.memory_space<vmem_shared>>
      %dma_wait3A_186 = arith.constant 0 : i32
      %dma_wait3A_187 = tpu.memref_slice %arg8[%add3A_26, %dma_wait3A_186] : memref<10240x128xf32, #tpu.memory_space<vmem_shared>> -> memref<32x128xf32, #tpu.memory_space<vmem_shared>>
      tpu.wait_dma2 semaphore(%run_scoped3A : memref<!tpu.dma_semaphore, #tpu.memory_space<semaphore_mem>>) src(%arg11 : memref<32x128xf32, #tpu.memory_space<vmem>>) dst(%dma_wait3A_187 : memref<32x128xf32, #tpu.memory_space<vmem_shared>>)
      tpu.yield
    }) : () -> ()
    %add3A_27 = arith.constant 288 : i32
    %add3A_28 = arith.addi %mul3A_8, %add3A_27 : i32
    "tpu.region"() ({
      %run_scoped3A = tpu.sem_alloc : memref<!tpu.dma_semaphore, #tpu.memory_space<semaphore_mem>>
      %dma_start3A_180 = arith.constant 0 : i32
      %dma_start3A_181 = tpu.memref_slice %arg8[%add3A_28, %dma_start3A_180] : memref<10240x128xf32, #tpu.memory_space<vmem_shared>> -> memref<32x128xf32, #tpu.memory_space<vmem_shared>>
      %dma_start3A_182 = arith.constant 0 : i32
      %dma_start3A_183 = tpu.memref_slice %arg8[%add3A_28, %dma_start3A_182] : memref<10240x128xf32, #tpu.memory_space<vmem_shared>> -> memref<32x128xf32, #tpu.memory_space<vmem_shared>>
      tpu.enqueue_dma source(%arg11 : memref<32x128xf32, #tpu.memory_space<vmem>>) target(%dma_start3A_183 : memref<32x128xf32, #tpu.memory_space<vmem_shared>>) target_semaphore(%run_scoped3A : memref<!tpu.dma_semaphore, #tpu.memory_space<semaphore_mem>>)
      %dma_wait3A_184 = arith.constant 0 : i32
      %dma_wait3A_185 = tpu.memref_slice %arg8[%add3A_28, %dma_wait3A_184] : memref<10240x128xf32, #tpu.memory_space<vmem_shared>> -> memref<32x128xf32, #tpu.memory_space<vmem_shared>>
      %dma_wait3A_186 = arith.constant 0 : i32
      %dma_wait3A_187 = tpu.memref_slice %arg8[%add3A_28, %dma_wait3A_186] : memref<10240x128xf32, #tpu.memory_space<vmem_shared>> -> memref<32x128xf32, #tpu.memory_space<vmem_shared>>
      tpu.wait_dma2 semaphore(%run_scoped3A : memref<!tpu.dma_semaphore, #tpu.memory_space<semaphore_mem>>) src(%arg11 : memref<32x128xf32, #tpu.memory_space<vmem>>) dst(%dma_wait3A_187 : memref<32x128xf32, #tpu.memory_space<vmem_shared>>)
      tpu.yield
    }) : () -> ()
    %add3A_29 = arith.constant 320 : i32
    %add3A_30 = arith.addi %mul3A_8, %add3A_29 : i32
    "tpu.region"() ({
      %run_scoped3A = tpu.sem_alloc : memref<!tpu.dma_semaphore, #tpu.memory_space<semaphore_mem>>
      %dma_start3A_180 = arith.constant 0 : i32
      %dma_start3A_181 = tpu.memref_slice %arg8[%add3A_30, %dma_start3A_180] : memref<10240x128xf32, #tpu.memory_space<vmem_shared>> -> memref<32x128xf32, #tpu.memory_space<vmem_shared>>
      %dma_start3A_182 = arith.constant 0 : i32
      %dma_start3A_183 = tpu.memref_slice %arg8[%add3A_30, %dma_start3A_182] : memref<10240x128xf32, #tpu.memory_space<vmem_shared>> -> memref<32x128xf32, #tpu.memory_space<vmem_shared>>
      tpu.enqueue_dma source(%arg11 : memref<32x128xf32, #tpu.memory_space<vmem>>) target(%dma_start3A_183 : memref<32x128xf32, #tpu.memory_space<vmem_shared>>) target_semaphore(%run_scoped3A : memref<!tpu.dma_semaphore, #tpu.memory_space<semaphore_mem>>)
      %dma_wait3A_184 = arith.constant 0 : i32
      %dma_wait3A_185 = tpu.memref_slice %arg8[%add3A_30, %dma_wait3A_184] : memref<10240x128xf32, #tpu.memory_space<vmem_shared>> -> memref<32x128xf32, #tpu.memory_space<vmem_shared>>
      %dma_wait3A_186 = arith.constant 0 : i32
      %dma_wait3A_187 = tpu.memref_slice %arg8[%add3A_30, %dma_wait3A_186] : memref<10240x128xf32, #tpu.memory_space<vmem_shared>> -> memref<32x128xf32, #tpu.memory_space<vmem_shared>>
      tpu.wait_dma2 semaphore(%run_scoped3A : memref<!tpu.dma_semaphore, #tpu.memory_space<semaphore_mem>>) src(%arg11 : memref<32x128xf32, #tpu.memory_space<vmem>>) dst(%dma_wait3A_187 : memref<32x128xf32, #tpu.memory_space<vmem_shared>>)
      tpu.yield
    }) : () -> ()
    %add3A_31 = arith.constant 352 : i32
    %add3A_32 = arith.addi %mul3A_8, %add3A_31 : i32
    "tpu.region"() ({
      %run_scoped3A = tpu.sem_alloc : memref<!tpu.dma_semaphore, #tpu.memory_space<semaphore_mem>>
      %dma_start3A_180 = arith.constant 0 : i32
      %dma_start3A_181 = tpu.memref_slice %arg8[%add3A_32, %dma_start3A_180] : memref<10240x128xf32, #tpu.memory_space<vmem_shared>> -> memref<32x128xf32, #tpu.memory_space<vmem_shared>>
      %dma_start3A_182 = arith.constant 0 : i32
      %dma_start3A_183 = tpu.memref_slice %arg8[%add3A_32, %dma_start3A_182] : memref<10240x128xf32, #tpu.memory_space<vmem_shared>> -> memref<32x128xf32, #tpu.memory_space<vmem_shared>>
      tpu.enqueue_dma source(%arg11 : memref<32x128xf32, #tpu.memory_space<vmem>>) target(%dma_start3A_183 : memref<32x128xf32, #tpu.memory_space<vmem_shared>>) target_semaphore(%run_scoped3A : memref<!tpu.dma_semaphore, #tpu.memory_space<semaphore_mem>>)
      %dma_wait3A_184 = arith.constant 0 : i32
      %dma_wait3A_185 = tpu.memref_slice %arg8[%add3A_32, %dma_wait3A_184] : memref<10240x128xf32, #tpu.memory_space<vmem_shared>> -> memref<32x128xf32, #tpu.memory_space<vmem_shared>>
      %dma_wait3A_186 = arith.constant 0 : i32
      %dma_wait3A_187 = tpu.memref_slice %arg8[%add3A_32, %dma_wait3A_186] : memref<10240x128xf32, #tpu.memory_space<vmem_shared>> -> memref<32x128xf32, #tpu.memory_space<vmem_shared>>
      tpu.wait_dma2 semaphore(%run_scoped3A : memref<!tpu.dma_semaphore, #tpu.memory_space<semaphore_mem>>) src(%arg11 : memref<32x128xf32, #tpu.memory_space<vmem>>) dst(%dma_wait3A_187 : memref<32x128xf32, #tpu.memory_space<vmem_shared>>)
      tpu.yield
    }) : () -> ()
    %add3A_33 = arith.constant 384 : i32
    %add3A_34 = arith.addi %mul3A_8, %add3A_33 : i32
    "tpu.region"() ({
      %run_scoped3A = tpu.sem_alloc : memref<!tpu.dma_semaphore, #tpu.memory_space<semaphore_mem>>
      %dma_start3A_180 = arith.constant 0 : i32
      %dma_start3A_181 = tpu.memref_slice %arg8[%add3A_34, %dma_start3A_180] : memref<10240x128xf32, #tpu.memory_space<vmem_shared>> -> memref<32x128xf32, #tpu.memory_space<vmem_shared>>
      %dma_start3A_182 = arith.constant 0 : i32
      %dma_start3A_183 = tpu.memref_slice %arg8[%add3A_34, %dma_start3A_182] : memref<10240x128xf32, #tpu.memory_space<vmem_shared>> -> memref<32x128xf32, #tpu.memory_space<vmem_shared>>
      tpu.enqueue_dma source(%arg11 : memref<32x128xf32, #tpu.memory_space<vmem>>) target(%dma_start3A_183 : memref<32x128xf32, #tpu.memory_space<vmem_shared>>) target_semaphore(%run_scoped3A : memref<!tpu.dma_semaphore, #tpu.memory_space<semaphore_mem>>)
      %dma_wait3A_184 = arith.constant 0 : i32
      %dma_wait3A_185 = tpu.memref_slice %arg8[%add3A_34, %dma_wait3A_184] : memref<10240x128xf32, #tpu.memory_space<vmem_shared>> -> memref<32x128xf32, #tpu.memory_space<vmem_shared>>
      %dma_wait3A_186 = arith.constant 0 : i32
      %dma_wait3A_187 = tpu.memref_slice %arg8[%add3A_34, %dma_wait3A_186] : memref<10240x128xf32, #tpu.memory_space<vmem_shared>> -> memref<32x128xf32, #tpu.memory_space<vmem_shared>>
      tpu.wait_dma2 semaphore(%run_scoped3A : memref<!tpu.dma_semaphore, #tpu.memory_space<semaphore_mem>>) src(%arg11 : memref<32x128xf32, #tpu.memory_space<vmem>>) dst(%dma_wait3A_187 : memref<32x128xf32, #tpu.memory_space<vmem_shared>>)
      tpu.yield
    }) : () -> ()
    %add3A_35 = arith.constant 416 : i32
    %add3A_36 = arith.addi %mul3A_8, %add3A_35 : i32
    "tpu.region"() ({
      %run_scoped3A = tpu.sem_alloc : memref<!tpu.dma_semaphore, #tpu.memory_space<semaphore_mem>>
      %dma_start3A_180 = arith.constant 0 : i32
      %dma_start3A_181 = tpu.memref_slice %arg8[%add3A_36, %dma_start3A_180] : memref<10240x128xf32, #tpu.memory_space<vmem_shared>> -> memref<32x128xf32, #tpu.memory_space<vmem_shared>>
      %dma_start3A_182 = arith.constant 0 : i32
      %dma_start3A_183 = tpu.memref_slice %arg8[%add3A_36, %dma_start3A_182] : memref<10240x128xf32, #tpu.memory_space<vmem_shared>> -> memref<32x128xf32, #tpu.memory_space<vmem_shared>>
      tpu.enqueue_dma source(%arg11 : memref<32x128xf32, #tpu.memory_space<vmem>>) target(%dma_start3A_183 : memref<32x128xf32, #tpu.memory_space<vmem_shared>>) target_semaphore(%run_scoped3A : memref<!tpu.dma_semaphore, #tpu.memory_space<semaphore_mem>>)
      %dma_wait3A_184 = arith.constant 0 : i32
      %dma_wait3A_185 = tpu.memref_slice %arg8[%add3A_36, %dma_wait3A_184] : memref<10240x128xf32, #tpu.memory_space<vmem_shared>> -> memref<32x128xf32, #tpu.memory_space<vmem_shared>>
      %dma_wait3A_186 = arith.constant 0 : i32
      %dma_wait3A_187 = tpu.memref_slice %arg8[%add3A_36, %dma_wait3A_186] : memref<10240x128xf32, #tpu.memory_space<vmem_shared>> -> memref<32x128xf32, #tpu.memory_space<vmem_shared>>
      tpu.wait_dma2 semaphore(%run_scoped3A : memref<!tpu.dma_semaphore, #tpu.memory_space<semaphore_mem>>) src(%arg11 : memref<32x128xf32, #tpu.memory_space<vmem>>) dst(%dma_wait3A_187 : memref<32x128xf32, #tpu.memory_space<vmem_shared>>)
      tpu.yield
    }) : () -> ()
    %add3A_37 = arith.constant 448 : i32
    %add3A_38 = arith.addi %mul3A_8, %add3A_37 : i32
    "tpu.region"() ({
      %run_scoped3A = tpu.sem_alloc : memref<!tpu.dma_semaphore, #tpu.memory_space<semaphore_mem>>
      %dma_start3A_180 = arith.constant 0 : i32
      %dma_start3A_181 = tpu.memref_slice %arg8[%add3A_38, %dma_start3A_180] : memref<10240x128xf32, #tpu.memory_space<vmem_shared>> -> memref<32x128xf32, #tpu.memory_space<vmem_shared>>
      %dma_start3A_182 = arith.constant 0 : i32
      %dma_start3A_183 = tpu.memref_slice %arg8[%add3A_38, %dma_start3A_182] : memref<10240x128xf32, #tpu.memory_space<vmem_shared>> -> memref<32x128xf32, #tpu.memory_space<vmem_shared>>
      tpu.enqueue_dma source(%arg11 : memref<32x128xf32, #tpu.memory_space<vmem>>) target(%dma_start3A_183 : memref<32x128xf32, #tpu.memory_space<vmem_shared>>) target_semaphore(%run_scoped3A : memref<!tpu.dma_semaphore, #tpu.memory_space<semaphore_mem>>)
      %dma_wait3A_184 = arith.constant 0 : i32
      %dma_wait3A_185 = tpu.memref_slice %arg8[%add3A_38, %dma_wait3A_184] : memref<10240x128xf32, #tpu.memory_space<vmem_shared>> -> memref<32x128xf32, #tpu.memory_space<vmem_shared>>
      %dma_wait3A_186 = arith.constant 0 : i32
      %dma_wait3A_187 = tpu.memref_slice %arg8[%add3A_38, %dma_wait3A_186] : memref<10240x128xf32, #tpu.memory_space<vmem_shared>> -> memref<32x128xf32, #tpu.memory_space<vmem_shared>>
      tpu.wait_dma2 semaphore(%run_scoped3A : memref<!tpu.dma_semaphore, #tpu.memory_space<semaphore_mem>>) src(%arg11 : memref<32x128xf32, #tpu.memory_space<vmem>>) dst(%dma_wait3A_187 : memref<32x128xf32, #tpu.memory_space<vmem_shared>>)
      tpu.yield
    }) : () -> ()
    %add3A_39 = arith.constant 480 : i32
    %add3A_40 = arith.addi %mul3A_8, %add3A_39 : i32
    "tpu.region"() ({
      %run_scoped3A = tpu.sem_alloc : memref<!tpu.dma_semaphore, #tpu.memory_space<semaphore_mem>>
      %dma_start3A_180 = arith.constant 0 : i32
      %dma_start3A_181 = tpu.memref_slice %arg8[%add3A_40, %dma_start3A_180] : memref<10240x128xf32, #tpu.memory_space<vmem_shared>> -> memref<32x128xf32, #tpu.memory_space<vmem_shared>>
      %dma_start3A_182 = arith.constant 0 : i32
      %dma_start3A_183 = tpu.memref_slice %arg8[%add3A_40, %dma_start3A_182] : memref<10240x128xf32, #tpu.memory_space<vmem_shared>> -> memref<32x128xf32, #tpu.memory_space<vmem_shared>>
      tpu.enqueue_dma source(%arg11 : memref<32x128xf32, #tpu.memory_space<vmem>>) target(%dma_start3A_183 : memref<32x128xf32, #tpu.memory_space<vmem_shared>>) target_semaphore(%run_scoped3A : memref<!tpu.dma_semaphore, #tpu.memory_space<semaphore_mem>>)
      %dma_wait3A_184 = arith.constant 0 : i32
      %dma_wait3A_185 = tpu.memref_slice %arg8[%add3A_40, %dma_wait3A_184] : memref<10240x128xf32, #tpu.memory_space<vmem_shared>> -> memref<32x128xf32, #tpu.memory_space<vmem_shared>>
      %dma_wait3A_186 = arith.constant 0 : i32
      %dma_wait3A_187 = tpu.memref_slice %arg8[%add3A_40, %dma_wait3A_186] : memref<10240x128xf32, #tpu.memory_space<vmem_shared>> -> memref<32x128xf32, #tpu.memory_space<vmem_shared>>
      tpu.wait_dma2 semaphore(%run_scoped3A : memref<!tpu.dma_semaphore, #tpu.memory_space<semaphore_mem>>) src(%arg11 : memref<32x128xf32, #tpu.memory_space<vmem>>) dst(%dma_wait3A_187 : memref<32x128xf32, #tpu.memory_space<vmem_shared>>)
      tpu.yield
    }) : () -> ()
    %add3A_41 = arith.constant 512 : i32
    %add3A_42 = arith.addi %mul3A_8, %add3A_41 : i32
    "tpu.region"() ({
      %run_scoped3A = tpu.sem_alloc : memref<!tpu.dma_semaphore, #tpu.memory_space<semaphore_mem>>
      %dma_start3A_180 = arith.constant 0 : i32
      %dma_start3A_181 = tpu.memref_slice %arg8[%add3A_42, %dma_start3A_180] : memref<10240x128xf32, #tpu.memory_space<vmem_shared>> -> memref<32x128xf32, #tpu.memory_space<vmem_shared>>
      %dma_start3A_182 = arith.constant 0 : i32
      %dma_start3A_183 = tpu.memref_slice %arg8[%add3A_42, %dma_start3A_182] : memref<10240x128xf32, #tpu.memory_space<vmem_shared>> -> memref<32x128xf32, #tpu.memory_space<vmem_shared>>
      tpu.enqueue_dma source(%arg11 : memref<32x128xf32, #tpu.memory_space<vmem>>) target(%dma_start3A_183 : memref<32x128xf32, #tpu.memory_space<vmem_shared>>) target_semaphore(%run_scoped3A : memref<!tpu.dma_semaphore, #tpu.memory_space<semaphore_mem>>)
      %dma_wait3A_184 = arith.constant 0 : i32
      %dma_wait3A_185 = tpu.memref_slice %arg8[%add3A_42, %dma_wait3A_184] : memref<10240x128xf32, #tpu.memory_space<vmem_shared>> -> memref<32x128xf32, #tpu.memory_space<vmem_shared>>
      %dma_wait3A_186 = arith.constant 0 : i32
      %dma_wait3A_187 = tpu.memref_slice %arg8[%add3A_42, %dma_wait3A_186] : memref<10240x128xf32, #tpu.memory_space<vmem_shared>> -> memref<32x128xf32, #tpu.memory_space<vmem_shared>>
      tpu.wait_dma2 semaphore(%run_scoped3A : memref<!tpu.dma_semaphore, #tpu.memory_space<semaphore_mem>>) src(%arg11 : memref<32x128xf32, #tpu.memory_space<vmem>>) dst(%dma_wait3A_187 : memref<32x128xf32, #tpu.memory_space<vmem_shared>>)
      tpu.yield
    }) : () -> ()
    %add3A_43 = arith.constant 544 : i32
    %add3A_44 = arith.addi %mul3A_8, %add3A_43 : i32
    "tpu.region"() ({
      %run_scoped3A = tpu.sem_alloc : memref<!tpu.dma_semaphore, #tpu.memory_space<semaphore_mem>>
      %dma_start3A_180 = arith.constant 0 : i32
      %dma_start3A_181 = tpu.memref_slice %arg8[%add3A_44, %dma_start3A_180] : memref<10240x128xf32, #tpu.memory_space<vmem_shared>> -> memref<32x128xf32, #tpu.memory_space<vmem_shared>>
      %dma_start3A_182 = arith.constant 0 : i32
      %dma_start3A_183 = tpu.memref_slice %arg8[%add3A_44, %dma_start3A_182] : memref<10240x128xf32, #tpu.memory_space<vmem_shared>> -> memref<32x128xf32, #tpu.memory_space<vmem_shared>>
      tpu.enqueue_dma source(%arg11 : memref<32x128xf32, #tpu.memory_space<vmem>>) target(%dma_start3A_183 : memref<32x128xf32, #tpu.memory_space<vmem_shared>>) target_semaphore(%run_scoped3A : memref<!tpu.dma_semaphore, #tpu.memory_space<semaphore_mem>>)
      %dma_wait3A_184 = arith.constant 0 : i32
      %dma_wait3A_185 = tpu.memref_slice %arg8[%add3A_44, %dma_wait3A_184] : memref<10240x128xf32, #tpu.memory_space<vmem_shared>> -> memref<32x128xf32, #tpu.memory_space<vmem_shared>>
      %dma_wait3A_186 = arith.constant 0 : i32
      %dma_wait3A_187 = tpu.memref_slice %arg8[%add3A_44, %dma_wait3A_186] : memref<10240x128xf32, #tpu.memory_space<vmem_shared>> -> memref<32x128xf32, #tpu.memory_space<vmem_shared>>
      tpu.wait_dma2 semaphore(%run_scoped3A : memref<!tpu.dma_semaphore, #tpu.memory_space<semaphore_mem>>) src(%arg11 : memref<32x128xf32, #tpu.memory_space<vmem>>) dst(%dma_wait3A_187 : memref<32x128xf32, #tpu.memory_space<vmem_shared>>)
      tpu.yield
    }) : () -> ()
    %add3A_45 = arith.constant 576 : i32
    %add3A_46 = arith.addi %mul3A_8, %add3A_45 : i32
    "tpu.region"() ({
      %run_scoped3A = tpu.sem_alloc : memref<!tpu.dma_semaphore, #tpu.memory_space<semaphore_mem>>
      %dma_start3A_180 = arith.constant 0 : i32
      %dma_start3A_181 = tpu.memref_slice %arg8[%add3A_46, %dma_start3A_180] : memref<10240x128xf32, #tpu.memory_space<vmem_shared>> -> memref<32x128xf32, #tpu.memory_space<vmem_shared>>
      %dma_start3A_182 = arith.constant 0 : i32
      %dma_start3A_183 = tpu.memref_slice %arg8[%add3A_46, %dma_start3A_182] : memref<10240x128xf32, #tpu.memory_space<vmem_shared>> -> memref<32x128xf32, #tpu.memory_space<vmem_shared>>
      tpu.enqueue_dma source(%arg11 : memref<32x128xf32, #tpu.memory_space<vmem>>) target(%dma_start3A_183 : memref<32x128xf32, #tpu.memory_space<vmem_shared>>) target_semaphore(%run_scoped3A : memref<!tpu.dma_semaphore, #tpu.memory_space<semaphore_mem>>)
      %dma_wait3A_184 = arith.constant 0 : i32
      %dma_wait3A_185 = tpu.memref_slice %arg8[%add3A_46, %dma_wait3A_184] : memref<10240x128xf32, #tpu.memory_space<vmem_shared>> -> memref<32x128xf32, #tpu.memory_space<vmem_shared>>
      %dma_wait3A_186 = arith.constant 0 : i32
      %dma_wait3A_187 = tpu.memref_slice %arg8[%add3A_46, %dma_wait3A_186] : memref<10240x128xf32, #tpu.memory_space<vmem_shared>> -> memref<32x128xf32, #tpu.memory_space<vmem_shared>>
      tpu.wait_dma2 semaphore(%run_scoped3A : memref<!tpu.dma_semaphore, #tpu.memory_space<semaphore_mem>>) src(%arg11 : memref<32x128xf32, #tpu.memory_space<vmem>>) dst(%dma_wait3A_187 : memref<32x128xf32, #tpu.memory_space<vmem_shared>>)
      tpu.yield
    }) : () -> ()
    %add3A_47 = arith.constant 608 : i32
    %add3A_48 = arith.addi %mul3A_8, %add3A_47 : i32
    "tpu.region"() ({
      %run_scoped3A = tpu.sem_alloc : memref<!tpu.dma_semaphore, #tpu.memory_space<semaphore_mem>>
      %dma_start3A_180 = arith.constant 0 : i32
      %dma_start3A_181 = tpu.memref_slice %arg8[%add3A_48, %dma_start3A_180] : memref<10240x128xf32, #tpu.memory_space<vmem_shared>> -> memref<32x128xf32, #tpu.memory_space<vmem_shared>>
      %dma_start3A_182 = arith.constant 0 : i32
      %dma_start3A_183 = tpu.memref_slice %arg8[%add3A_48, %dma_start3A_182] : memref<10240x128xf32, #tpu.memory_space<vmem_shared>> -> memref<32x128xf32, #tpu.memory_space<vmem_shared>>
      tpu.enqueue_dma source(%arg11 : memref<32x128xf32, #tpu.memory_space<vmem>>) target(%dma_start3A_183 : memref<32x128xf32, #tpu.memory_space<vmem_shared>>) target_semaphore(%run_scoped3A : memref<!tpu.dma_semaphore, #tpu.memory_space<semaphore_mem>>)
      %dma_wait3A_184 = arith.constant 0 : i32
      %dma_wait3A_185 = tpu.memref_slice %arg8[%add3A_48, %dma_wait3A_184] : memref<10240x128xf32, #tpu.memory_space<vmem_shared>> -> memref<32x128xf32, #tpu.memory_space<vmem_shared>>
      %dma_wait3A_186 = arith.constant 0 : i32
      %dma_wait3A_187 = tpu.memref_slice %arg8[%add3A_48, %dma_wait3A_186] : memref<10240x128xf32, #tpu.memory_space<vmem_shared>> -> memref<32x128xf32, #tpu.memory_space<vmem_shared>>
      tpu.wait_dma2 semaphore(%run_scoped3A : memref<!tpu.dma_semaphore, #tpu.memory_space<semaphore_mem>>) src(%arg11 : memref<32x128xf32, #tpu.memory_space<vmem>>) dst(%dma_wait3A_187 : memref<32x128xf32, #tpu.memory_space<vmem_shared>>)
      tpu.yield
    }) : () -> ()
    %lt3A = arith.constant 10 : i32
    %lt3A_49 = arith.cmpi slt, %arg1, %lt3A : i32
    %convert_element_type3A = arith.extui %lt3A_49 : i1 to i32
    %cond3A = arith.constant 0 : i32
    %cond3A_50 = arith.cmpi ne, %convert_element_type3A, %cond3A : i32
    scf.if %cond3A_50 {
      %mul3A_180 = arith.constant 8 : i32
      %mul3A_181 = arith.muli %arg1, %mul3A_180 : i32
      "tpu.region"() ({
        %run_scoped3A = tpu.sem_alloc : memref<!tpu.dma_semaphore, #tpu.memory_space<semaphore_mem>>
        %dma_start3A_182 = arith.constant 0 : i32
        %dma_start3A_183 = arith.constant 0 : i32
        %dma_start3A_184 = tpu.memref_slice %arg11[%dma_start3A_182, %dma_start3A_183] : memref<32x128xf32, #tpu.memory_space<vmem>> -> memref<8x128xf32, #tpu.memory_space<vmem>>
        %dma_start3A_185 = arith.constant 0 : i32
        %dma_start3A_186 = tpu.memref_slice %arg9[%mul3A_181, %dma_start3A_185] : memref<80x128xf32, #tpu.memory_space<vmem_shared>> -> memref<8x128xf32, #tpu.memory_space<vmem_shared>>
        %dma_start3A_187 = arith.constant 0 : i32
        %dma_start3A_188 = tpu.memref_slice %arg9[%mul3A_181, %dma_start3A_187] : memref<80x128xf32, #tpu.memory_space<vmem_shared>> -> memref<8x128xf32, #tpu.memory_space<vmem_shared>>
        %dma_start3A_189 = arith.constant 0 : i32
        %dma_start3A_190 = arith.constant 0 : i32
        %dma_start3A_191 = tpu.memref_slice %arg11[%dma_start3A_189, %dma_start3A_190] : memref<32x128xf32, #tpu.memory_space<vmem>> -> memref<8x128xf32, #tpu.memory_space<vmem>>
        tpu.enqueue_dma source(%dma_start3A_191 : memref<8x128xf32, #tpu.memory_space<vmem>>) target(%dma_start3A_188 : memref<8x128xf32, #tpu.memory_space<vmem_shared>>) target_semaphore(%run_scoped3A : memref<!tpu.dma_semaphore, #tpu.memory_space<semaphore_mem>>)
        %dma_wait3A_192 = arith.constant 0 : i32
        %dma_wait3A_193 = arith.constant 0 : i32
        %dma_wait3A_194 = tpu.memref_slice %arg11[%dma_wait3A_192, %dma_wait3A_193] : memref<32x128xf32, #tpu.memory_space<vmem>> -> memref<8x128xf32, #tpu.memory_space<vmem>>
        %dma_wait3A_195 = arith.constant 0 : i32
        %dma_wait3A_196 = tpu.memref_slice %arg9[%mul3A_181, %dma_wait3A_195] : memref<80x128xf32, #tpu.memory_space<vmem_shared>> -> memref<8x128xf32, #tpu.memory_space<vmem_shared>>
        %dma_wait3A_197 = arith.constant 0 : i32
        %dma_wait3A_198 = tpu.memref_slice %arg9[%mul3A_181, %dma_wait3A_197] : memref<80x128xf32, #tpu.memory_space<vmem_shared>> -> memref<8x128xf32, #tpu.memory_space<vmem_shared>>
        %dma_wait3A_199 = arith.constant 0 : i32
        %dma_wait3A_200 = arith.constant 0 : i32
        %dma_wait3A_201 = tpu.memref_slice %arg11[%dma_wait3A_199, %dma_wait3A_200] : memref<32x128xf32, #tpu.memory_space<vmem>> -> memref<8x128xf32, #tpu.memory_space<vmem>>
        tpu.wait_dma2 semaphore(%run_scoped3A : memref<!tpu.dma_semaphore, #tpu.memory_space<semaphore_mem>>) src(%dma_wait3A_201 : memref<8x128xf32, #tpu.memory_space<vmem>>) dst(%dma_wait3A_198 : memref<8x128xf32, #tpu.memory_space<vmem_shared>>)
        tpu.yield
      }) : () -> ()
    } else {
    }
    %eq3A = arith.constant 15 : i32
    %eq3A_51 = arith.cmpi eq, %arg1, %eq3A : i32
    %convert_element_type3A_52 = arith.extui %eq3A_51 : i1 to i32
    %cond3A_53 = arith.constant 0 : i32
    %cond3A_54 = arith.cmpi ne, %convert_element_type3A_52, %cond3A_53 : i32
    scf.if %cond3A_54 {
      "tpu.region"() ({
        %run_scoped3A = tpu.sem_alloc : memref<!tpu.dma_semaphore, #tpu.memory_space<semaphore_mem>>
        tpu.enqueue_dma source(%arg5 : memref<128x128xf32, #tpu.memory_space<hbm>>) target(%arg10 : memref<128x128xf32, #tpu.memory_space<vmem_shared>>) target_semaphore(%run_scoped3A : memref<!tpu.dma_semaphore, #tpu.memory_space<semaphore_mem>>)
        tpu.wait_dma2 semaphore(%run_scoped3A : memref<!tpu.dma_semaphore, #tpu.memory_space<semaphore_mem>>) src(%arg5 : memref<128x128xf32, #tpu.memory_space<hbm>>) dst(%arg10 : memref<128x128xf32, #tpu.memory_space<vmem_shared>>)
        tpu.yield
      }) : () -> ()
    } else {
    }
    %barrier3A = arith.constant 0 : index
    tpu.barrier barrier_id(%barrier3A)
    %mul3A_55 = arith.constant 10000 : i32
    %mul3A_56 = arith.muli %add3A, %mul3A_55 : i32
    %add3A_57 = arith.constant 0 : i32
    %add3A_58 = arith.addi %mul3A_56, %add3A_57 : i32
    "tpu.region"() ({
      %run_scoped3A = tpu.sem_alloc : memref<!tpu.dma_semaphore, #tpu.memory_space<semaphore_mem>>
      %dma_start3A_180 = tpu.memref_slice %arg3[%add3A_58] : memref<320000xi32, #tpu.memory_space<hbm>> -> memref<80xi32, #tpu.memory_space<hbm>>
      %dma_start3A_181 = tpu.memref_slice %arg3[%add3A_58] : memref<320000xi32, #tpu.memory_space<hbm>> -> memref<80xi32, #tpu.memory_space<hbm>>
      tpu.enqueue_dma source(%dma_start3A_181 : memref<80xi32, #tpu.memory_space<hbm>>) target(%arg12 : memref<80xi32, #tpu.memory_space<vmem>>) target_semaphore(%run_scoped3A : memref<!tpu.dma_semaphore, #tpu.memory_space<semaphore_mem>>)
      %dma_wait3A_182 = tpu.memref_slice %arg3[%add3A_58] : memref<320000xi32, #tpu.memory_space<hbm>> -> memref<80xi32, #tpu.memory_space<hbm>>
      %dma_wait3A_183 = tpu.memref_slice %arg3[%add3A_58] : memref<320000xi32, #tpu.memory_space<hbm>> -> memref<80xi32, #tpu.memory_space<hbm>>
      tpu.wait_dma2 semaphore(%run_scoped3A : memref<!tpu.dma_semaphore, #tpu.memory_space<semaphore_mem>>) src(%dma_wait3A_183 : memref<80xi32, #tpu.memory_space<hbm>>) dst(%arg12 : memref<80xi32, #tpu.memory_space<vmem>>)
      tpu.yield
    }) : () -> ()
    "tpu.region"() ({
      %run_scoped3A = tpu.sem_alloc : memref<!tpu.dma_semaphore, #tpu.memory_space<semaphore_mem>>
      %dma_start3A_180 = tpu.memref_slice %arg4[%add3A_58] : memref<320000xi32, #tpu.memory_space<hbm>> -> memref<80xi32, #tpu.memory_space<hbm>>
      %dma_start3A_181 = tpu.memref_slice %arg4[%add3A_58] : memref<320000xi32, #tpu.memory_space<hbm>> -> memref<80xi32, #tpu.memory_space<hbm>>
      tpu.enqueue_dma source(%dma_start3A_181 : memref<80xi32, #tpu.memory_space<hbm>>) target(%arg13 : memref<80xi32, #tpu.memory_space<vmem>>) target_semaphore(%run_scoped3A : memref<!tpu.dma_semaphore, #tpu.memory_space<semaphore_mem>>)
      %dma_wait3A_182 = tpu.memref_slice %arg4[%add3A_58] : memref<320000xi32, #tpu.memory_space<hbm>> -> memref<80xi32, #tpu.memory_space<hbm>>
      %dma_wait3A_183 = tpu.memref_slice %arg4[%add3A_58] : memref<320000xi32, #tpu.memory_space<hbm>> -> memref<80xi32, #tpu.memory_space<hbm>>
      tpu.wait_dma2 semaphore(%run_scoped3A : memref<!tpu.dma_semaphore, #tpu.memory_space<semaphore_mem>>) src(%dma_wait3A_183 : memref<80xi32, #tpu.memory_space<hbm>>) dst(%arg13 : memref<80xi32, #tpu.memory_space<vmem>>)
      tpu.yield
    }) : () -> ()
    %get3A = arith.constant 0 : index
    %get3A_59 = tpu.vector_load %arg13[%get3A] {strides = array<i32>} : memref<80xi32, #tpu.memory_space<vmem>>, vector<16xi32>,
    %get3A_60 = vector.shape_cast %get3A_59 : vector<16xi32> to vector<16xi32>
    %shift_right_arithmetic3A = arith.constant 7 : i32
    %shift_right_arithmetic3A_61 = vector.broadcast %shift_right_arithmetic3A : i32 to vector<16xi32>
    %shift_right_arithmetic3A_62 = arith.shrsi %get3A_60, %shift_right_arithmetic3A_61 : vector<16xi32>
    %swap3A = arith.constant 0 : index
    %swap3A_63 = tpu.vector_load %arg14[%swap3A] {strides = array<i32>} : memref<80xi32, #tpu.memory_space<vmem>>, vector<16xi32>,
    %swap3A_64 = vector.shape_cast %swap3A_63 : vector<16xi32> to vector<16xi32>
    %swap3A_65 = vector.shape_cast %shift_right_arithmetic3A_62 : vector<16xi32> to vector<16xi32>
    tpu.vector_store %arg14[%swap3A], %swap3A_65 {strides = array<i32>} : memref<80xi32, #tpu.memory_space<vmem>>, vector<16xi32>,
    %and3A = arith.constant 127 : i32
    %and3A_66 = vector.broadcast %and3A : i32 to vector<16xi32>
    %and3A_67 = arith.andi %get3A_60, %and3A_66 : vector<16xi32>
    %swap3A_68 = arith.constant 0 : index
    %swap3A_69 = tpu.vector_load %arg15[%swap3A_68] {strides = array<i32>} : memref<80xi32, #tpu.memory_space<vmem>>, vector<16xi32>,
    %swap3A_70 = vector.shape_cast %swap3A_69 : vector<16xi32> to vector<16xi32>
    %swap3A_71 = vector.shape_cast %and3A_67 : vector<16xi32> to vector<16xi32>
    tpu.vector_store %arg15[%swap3A_68], %swap3A_71 {strides = array<i32>} : memref<80xi32, #tpu.memory_space<vmem>>, vector<16xi32>,
    %get3A_72 = arith.constant 16 : index
    %get3A_73 = tpu.vector_load %arg13[%get3A_72] {strides = array<i32>} : memref<80xi32, #tpu.memory_space<vmem>>, vector<16xi32>,
    %get3A_74 = vector.shape_cast %get3A_73 : vector<16xi32> to vector<16xi32>
    %shift_right_arithmetic3A_75 = arith.constant 7 : i32
    %shift_right_arithmetic3A_76 = vector.broadcast %shift_right_arithmetic3A_75 : i32 to vector<16xi32>
    %shift_right_arithmetic3A_77 = arith.shrsi %get3A_74, %shift_right_arithmetic3A_76 : vector<16xi32>
    %swap3A_78 = arith.constant 16 : index
    %swap3A_79 = tpu.vector_load %arg14[%swap3A_78] {strides = array<i32>} : memref<80xi32, #tpu.memory_space<vmem>>, vector<16xi32>,
    %swap3A_80 = vector.shape_cast %swap3A_79 : vector<16xi32> to vector<16xi32>
    %swap3A_81 = vector.shape_cast %shift_right_arithmetic3A_77 : vector<16xi32> to vector<16xi32>
    tpu.vector_store %arg14[%swap3A_78], %swap3A_81 {strides = array<i32>} : memref<80xi32, #tpu.memory_space<vmem>>, vector<16xi32>,
    %and3A_82 = arith.constant 127 : i32
    %and3A_83 = vector.broadcast %and3A_82 : i32 to vector<16xi32>
    %and3A_84 = arith.andi %get3A_74, %and3A_83 : vector<16xi32>
    %swap3A_85 = arith.constant 16 : index
    %swap3A_86 = tpu.vector_load %arg15[%swap3A_85] {strides = array<i32>} : memref<80xi32, #tpu.memory_space<vmem>>, vector<16xi32>,
    %swap3A_87 = vector.shape_cast %swap3A_86 : vector<16xi32> to vector<16xi32>
    %swap3A_88 = vector.shape_cast %and3A_84 : vector<16xi32> to vector<16xi32>
    tpu.vector_store %arg15[%swap3A_85], %swap3A_88 {strides = array<i32>} : memref<80xi32, #tpu.memory_space<vmem>>, vector<16xi32>,
    %get3A_89 = arith.constant 32 : index
    %get3A_90 = tpu.vector_load %arg13[%get3A_89] {strides = array<i32>} : memref<80xi32, #tpu.memory_space<vmem>>, vector<16xi32>,
    %get3A_91 = vector.shape_cast %get3A_90 : vector<16xi32> to vector<16xi32>
    %shift_right_arithmetic3A_92 = arith.constant 7 : i32
    %shift_right_arithmetic3A_93 = vector.broadcast %shift_right_arithmetic3A_92 : i32 to vector<16xi32>
    %shift_right_arithmetic3A_94 = arith.shrsi %get3A_91, %shift_right_arithmetic3A_93 : vector<16xi32>
    %swap3A_95 = arith.constant 32 : index
    %swap3A_96 = tpu.vector_load %arg14[%swap3A_95] {strides = array<i32>} : memref<80xi32, #tpu.memory_space<vmem>>, vector<16xi32>,
    %swap3A_97 = vector.shape_cast %swap3A_96 : vector<16xi32> to vector<16xi32>
    %swap3A_98 = vector.shape_cast %shift_right_arithmetic3A_94 : vector<16xi32> to vector<16xi32>
    tpu.vector_store %arg14[%swap3A_95], %swap3A_98 {strides = array<i32>} : memref<80xi32, #tpu.memory_space<vmem>>, vector<16xi32>,
    %and3A_99 = arith.constant 127 : i32
    %and3A_100 = vector.broadcast %and3A_99 : i32 to vector<16xi32>
    %and3A_101 = arith.andi %get3A_91, %and3A_100 : vector<16xi32>
    %swap3A_102 = arith.constant 32 : index
    %swap3A_103 = tpu.vector_load %arg15[%swap3A_102] {strides = array<i32>} : memref<80xi32, #tpu.memory_space<vmem>>, vector<16xi32>,
    %swap3A_104 = vector.shape_cast %swap3A_103 : vector<16xi32> to vector<16xi32>
    %swap3A_105 = vector.shape_cast %and3A_101 : vector<16xi32> to vector<16xi32>
    tpu.vector_store %arg15[%swap3A_102], %swap3A_105 {strides = array<i32>} : memref<80xi32, #tpu.memory_space<vmem>>, vector<16xi32>,
    %get3A_106 = arith.constant 48 : index
    %get3A_107 = tpu.vector_load %arg13[%get3A_106] {strides = array<i32>} : memref<80xi32, #tpu.memory_space<vmem>>, vector<16xi32>,
    %get3A_108 = vector.shape_cast %get3A_107 : vector<16xi32> to vector<16xi32>
    %shift_right_arithmetic3A_109 = arith.constant 7 : i32
    %shift_right_arithmetic3A_110 = vector.broadcast %shift_right_arithmetic3A_109 : i32 to vector<16xi32>
    %shift_right_arithmetic3A_111 = arith.shrsi %get3A_108, %shift_right_arithmetic3A_110 : vector<16xi32>
    %swap3A_112 = arith.constant 48 : index
    %swap3A_113 = tpu.vector_load %arg14[%swap3A_112] {strides = array<i32>} : memref<80xi32, #tpu.memory_space<vmem>>, vector<16xi32>,
    %swap3A_114 = vector.shape_cast %swap3A_113 : vector<16xi32> to vector<16xi32>
    %swap3A_115 = vector.shape_cast %shift_right_arithmetic3A_111 : vector<16xi32> to vector<16xi32>
    tpu.vector_store %arg14[%swap3A_112], %swap3A_115 {strides = array<i32>} : memref<80xi32, #tpu.memory_space<vmem>>, vector<16xi32>,
    %and3A_116 = arith.constant 127 : i32
    %and3A_117 = vector.broadcast %and3A_116 : i32 to vector<16xi32>
    %and3A_118 = arith.andi %get3A_108, %and3A_117 : vector<16xi32>
    %swap3A_119 = arith.constant 48 : index
    %swap3A_120 = tpu.vector_load %arg15[%swap3A_119] {strides = array<i32>} : memref<80xi32, #tpu.memory_space<vmem>>, vector<16xi32>,
    %swap3A_121 = vector.shape_cast %swap3A_120 : vector<16xi32> to vector<16xi32>
    %swap3A_122 = vector.shape_cast %and3A_118 : vector<16xi32> to vector<16xi32>
    tpu.vector_store %arg15[%swap3A_119], %swap3A_122 {strides = array<i32>} : memref<80xi32, #tpu.memory_space<vmem>>, vector<16xi32>,
    %get3A_123 = arith.constant 64 : index
    %get3A_124 = tpu.vector_load %arg13[%get3A_123] {strides = array<i32>} : memref<80xi32, #tpu.memory_space<vmem>>, vector<16xi32>,
    %get3A_125 = vector.shape_cast %get3A_124 : vector<16xi32> to vector<16xi32>
    %shift_right_arithmetic3A_126 = arith.constant 7 : i32
    %shift_right_arithmetic3A_127 = vector.broadcast %shift_right_arithmetic3A_126 : i32 to vector<16xi32>
    %shift_right_arithmetic3A_128 = arith.shrsi %get3A_125, %shift_right_arithmetic3A_127 : vector<16xi32>
    %swap3A_129 = arith.constant 64 : index
    %swap3A_130 = tpu.vector_load %arg14[%swap3A_129] {strides = array<i32>} : memref<80xi32, #tpu.memory_space<vmem>>, vector<16xi32>,
    %swap3A_131 = vector.shape_cast %swap3A_130 : vector<16xi32> to vector<16xi32>
    %swap3A_132 = vector.shape_cast %shift_right_arithmetic3A_128 : vector<16xi32> to vector<16xi32>
    tpu.vector_store %arg14[%swap3A_129], %swap3A_132 {strides = array<i32>} : memref<80xi32, #tpu.memory_space<vmem>>, vector<16xi32>,
    %and3A_133 = arith.constant 127 : i32
    %and3A_134 = vector.broadcast %and3A_133 : i32 to vector<16xi32>
    %and3A_135 = arith.andi %get3A_125, %and3A_134 : vector<16xi32>
    %swap3A_136 = arith.constant 64 : index
    %swap3A_137 = tpu.vector_load %arg15[%swap3A_136] {strides = array<i32>} : memref<80xi32, #tpu.memory_space<vmem>>, vector<16xi32>,
    %swap3A_138 = vector.shape_cast %swap3A_137 : vector<16xi32> to vector<16xi32>
    %swap3A_139 = vector.shape_cast %and3A_135 : vector<16xi32> to vector<16xi32>
    tpu.vector_store %arg15[%swap3A_136], %swap3A_139 {strides = array<i32>} : memref<80xi32, #tpu.memory_space<vmem>>, vector<16xi32>,
    %dma_start3A = arith.constant 0 : i32
    %dma_start3A_140 = arith.constant 0 : i32
    %dma_start3A_141 = tpu.memref_slice %arg2[%dma_start3A, %dma_start3A_140] : memref<10000x128xf32, #tpu.memory_space<hbm>> -> memref<10000x128xf32, #tpu.memory_space<hbm>>
    tpu.enqueue_indirect_dma source(%dma_start3A_141 : memref<10000x128xf32, #tpu.memory_space<hbm>>) target(%arg16 : memref<80x128xf32, #tpu.memory_space<vmem>>) offsets(%arg12 : memref<80xi32, #tpu.memory_space<vmem>>) semaphore(%arg18 : memref<!tpu.dma_semaphore, #tpu.memory_space<semaphore_mem>>)
    %dma_start3A_142 = arith.constant 0 : i32
    %dma_start3A_143 = arith.constant 0 : i32
    %dma_start3A_144 = tpu.memref_slice %arg10[%dma_start3A_142, %dma_start3A_143] : memref<128x128xf32, #tpu.memory_space<vmem_shared>> -> memref<128x128xf32, #tpu.memory_space<vmem_shared>>
    tpu.enqueue_indirect_dma source(%dma_start3A_144 : memref<128x128xf32, #tpu.memory_space<vmem_shared>>) target(%arg17 : memref<80x128xf32, #tpu.memory_space<vmem>>) offsets(%arg15 : memref<80xi32, #tpu.memory_space<vmem>>) semaphore(%arg19 : memref<!tpu.dma_semaphore, #tpu.memory_space<semaphore_mem>>)
    %scan3A_145 = arith.constant 0 : i32
    %scan3A_146 = arith.constant 0 : i32
    %scan3A_147 = arith.constant 62 : i32
    %scan3A_148 = arith.addi %scan3A_146, %scan3A_147 : i32
    %scan3A_149 = arith.constant 1 : i32
    scf.for %scan3A_180 = %scan3A_146 to %scan3A_148 step %scan3A_149  : i32 {
      %mul3A_181 = arith.constant 2 : i32
      %mul3A_182 = arith.muli %mul3A_181, %scan3A_180 : i32
      %add3A_183 = arith.constant 1 : i32
      %add3A_184 = arith.addi %mul3A_182, %add3A_183 : i32
      %ge3A = arith.constant 2 : i32
      %ge3A_185 = arith.cmpi sge, %add3A_184, %ge3A : i32
      %convert_element_type3A_186 = arith.extui %ge3A_185 : i1 to i32
      %cond3A_187 = arith.constant 0 : i32
      %cond3A_188 = arith.cmpi ne, %convert_element_type3A_186, %cond3A_187 : i32
      scf.if %cond3A_188 {
        %dma_wait3A_408 = arith.constant 0 : i32
        %dma_wait3A_409 = arith.constant 0 : i32
        %dma_wait3A_410 = tpu.memref_slice %arg8[%dma_wait3A_408, %dma_wait3A_409] : memref<10240x128xf32, #tpu.memory_space<vmem_shared>> -> memref<10240x128xf32, #tpu.memory_space<vmem_shared>>
        tpu.wait_indirect_dma semaphore(%arg30 : memref<!tpu.dma_semaphore, #tpu.memory_space<semaphore_mem>>) src(%arg26 : memref<80x128xf32, #tpu.memory_space<vmem>>) dst(%dma_wait3A_410 : memref<10240x128xf32, #tpu.memory_space<vmem_shared>>)
        %dma_wait3A_411 = arith.constant 0 : i32
        %dma_wait3A_412 = arith.constant 0 : i32
        %dma_wait3A_413 = tpu.memref_slice %arg9[%dma_wait3A_411, %dma_wait3A_412] : memref<80x128xf32, #tpu.memory_space<vmem_shared>> -> memref<80x128xf32, #tpu.memory_space<vmem_shared>>
        tpu.wait_indirect_dma semaphore(%arg31 : memref<!tpu.dma_semaphore, #tpu.memory_space<semaphore_mem>>) src(%arg27 : memref<80x128xf32, #tpu.memory_space<vmem>>) dst(%dma_wait3A_413 : memref<80x128xf32, #tpu.memory_space<vmem_shared>>)
      } else {
      }
      %mul3A_189 = arith.constant 80 : i32
      %mul3A_190 = arith.muli %add3A_184, %mul3A_189 : i32
      %add3A_191 = arith.addi %mul3A_56, %mul3A_190 : i32
      "tpu.region"() ({
        %run_scoped3A = tpu.sem_alloc : memref<!tpu.dma_semaphore, #tpu.memory_space<semaphore_mem>>
        %dma_start3A_408 = tpu.memref_slice %arg3[%add3A_191] : memref<320000xi32, #tpu.memory_space<hbm>> -> memref<80xi32, #tpu.memory_space<hbm>>
        %dma_start3A_409 = tpu.memref_slice %arg3[%add3A_191] : memref<320000xi32, #tpu.memory_space<hbm>> -> memref<80xi32, #tpu.memory_space<hbm>>
        tpu.enqueue_dma source(%dma_start3A_409 : memref<80xi32, #tpu.memory_space<hbm>>) target(%arg22 : memref<80xi32, #tpu.memory_space<vmem>>) target_semaphore(%run_scoped3A : memref<!tpu.dma_semaphore, #tpu.memory_space<semaphore_mem>>)
        %dma_wait3A_410 = tpu.memref_slice %arg3[%add3A_191] : memref<320000xi32, #tpu.memory_space<hbm>> -> memref<80xi32, #tpu.memory_space<hbm>>
        %dma_wait3A_411 = tpu.memref_slice %arg3[%add3A_191] : memref<320000xi32, #tpu.memory_space<hbm>> -> memref<80xi32, #tpu.memory_space<hbm>>
        tpu.wait_dma2 semaphore(%run_scoped3A : memref<!tpu.dma_semaphore, #tpu.memory_space<semaphore_mem>>) src(%dma_wait3A_411 : memref<80xi32, #tpu.memory_space<hbm>>) dst(%arg22 : memref<80xi32, #tpu.memory_space<vmem>>)
        tpu.yield
      }) : () -> ()
      "tpu.region"() ({
        %run_scoped3A = tpu.sem_alloc : memref<!tpu.dma_semaphore, #tpu.memory_space<semaphore_mem>>
        %dma_start3A_408 = tpu.memref_slice %arg4[%add3A_191] : memref<320000xi32, #tpu.memory_space<hbm>> -> memref<80xi32, #tpu.memory_space<hbm>>
        %dma_start3A_409 = tpu.memref_slice %arg4[%add3A_191] : memref<320000xi32, #tpu.memory_space<hbm>> -> memref<80xi32, #tpu.memory_space<hbm>>
        tpu.enqueue_dma source(%dma_start3A_409 : memref<80xi32, #tpu.memory_space<hbm>>) target(%arg23 : memref<80xi32, #tpu.memory_space<vmem>>) target_semaphore(%run_scoped3A : memref<!tpu.dma_semaphore, #tpu.memory_space<semaphore_mem>>)
        %dma_wait3A_410 = tpu.memref_slice %arg4[%add3A_191] : memref<320000xi32, #tpu.memory_space<hbm>> -> memref<80xi32, #tpu.memory_space<hbm>>
        %dma_wait3A_411 = tpu.memref_slice %arg4[%add3A_191] : memref<320000xi32, #tpu.memory_space<hbm>> -> memref<80xi32, #tpu.memory_space<hbm>>
        tpu.wait_dma2 semaphore(%run_scoped3A : memref<!tpu.dma_semaphore, #tpu.memory_space<semaphore_mem>>) src(%dma_wait3A_411 : memref<80xi32, #tpu.memory_space<hbm>>) dst(%arg23 : memref<80xi32, #tpu.memory_space<vmem>>)
        tpu.yield
      }) : () -> ()
      %get3A_192 = arith.constant 0 : index
      %get3A_193 = tpu.vector_load %arg23[%get3A_192] {strides = array<i32>} : memref<80xi32, #tpu.memory_space<vmem>>, vector<16xi32>,
      %get3A_194 = vector.shape_cast %get3A_193 : vector<16xi32> to vector<16xi32>
      %shift_right_arithmetic3A_195 = arith.constant 7 : i32
      %shift_right_arithmetic3A_196 = vector.broadcast %shift_right_arithmetic3A_195 : i32 to vector<16xi32>
      %shift_right_arithmetic3A_197 = arith.shrsi %get3A_194, %shift_right_arithmetic3A_196 : vector<16xi32>
      %swap3A_198 = arith.constant 0 : index
      %swap3A_199 = tpu.vector_load %arg24[%swap3A_198] {strides = array<i32>} : memref<80xi32, #tpu.memory_space<vmem>>, vector<16xi32>,
      %swap3A_200 = vector.shape_cast %swap3A_199 : vector<16xi32> to vector<16xi32>
      %swap3A_201 = vector.shape_cast %shift_right_arithmetic3A_197 : vector<16xi32> to vector<16xi32>
      tpu.vector_store %arg24[%swap3A_198], %swap3A_201 {strides = array<i32>} : memref<80xi32, #tpu.memory_space<vmem>>, vector<16xi32>,
      %and3A_202 = arith.constant 127 : i32
      %and3A_203 = vector.broadcast %and3A_202 : i32 to vector<16xi32>
      %and3A_204 = arith.andi %get3A_194, %and3A_203 : vector<16xi32>
      %swap3A_205 = arith.constant 0 : index
      %swap3A_206 = tpu.vector_load %arg25[%swap3A_205] {strides = array<i32>} : memref<80xi32, #tpu.memory_space<vmem>>, vector<16xi32>,
      %swap3A_207 = vector.shape_cast %swap3A_206 : vector<16xi32> to vector<16xi32>
      %swap3A_208 = vector.shape_cast %and3A_204 : vector<16xi32> to vector<16xi32>
      tpu.vector_store %arg25[%swap3A_205], %swap3A_208 {strides = array<i32>} : memref<80xi32, #tpu.memory_space<vmem>>, vector<16xi32>,
      %get3A_209 = arith.constant 16 : index
      %get3A_210 = tpu.vector_load %arg23[%get3A_209] {strides = array<i32>} : memref<80xi32, #tpu.memory_space<vmem>>, vector<16xi32>,
      %get3A_211 = vector.shape_cast %get3A_210 : vector<16xi32> to vector<16xi32>
      %shift_right_arithmetic3A_212 = arith.constant 7 : i32
      %shift_right_arithmetic3A_213 = vector.broadcast %shift_right_arithmetic3A_212 : i32 to vector<16xi32>
      %shift_right_arithmetic3A_214 = arith.shrsi %get3A_211, %shift_right_arithmetic3A_213 : vector<16xi32>
      %swap3A_215 = arith.constant 16 : index
      %swap3A_216 = tpu.vector_load %arg24[%swap3A_215] {strides = array<i32>} : memref<80xi32, #tpu.memory_space<vmem>>, vector<16xi32>,
      %swap3A_217 = vector.shape_cast %swap3A_216 : vector<16xi32> to vector<16xi32>
      %swap3A_218 = vector.shape_cast %shift_right_arithmetic3A_214 : vector<16xi32> to vector<16xi32>
      tpu.vector_store %arg24[%swap3A_215], %swap3A_218 {strides = array<i32>} : memref<80xi32, #tpu.memory_space<vmem>>, vector<16xi32>,
      %and3A_219 = arith.constant 127 : i32
      %and3A_220 = vector.broadcast %and3A_219 : i32 to vector<16xi32>
      %and3A_221 = arith.andi %get3A_211, %and3A_220 : vector<16xi32>
      %swap3A_222 = arith.constant 16 : index
      %swap3A_223 = tpu.vector_load %arg25[%swap3A_222] {strides = array<i32>} : memref<80xi32, #tpu.memory_space<vmem>>, vector<16xi32>,
      %swap3A_224 = vector.shape_cast %swap3A_223 : vector<16xi32> to vector<16xi32>
      %swap3A_225 = vector.shape_cast %and3A_221 : vector<16xi32> to vector<16xi32>
      tpu.vector_store %arg25[%swap3A_222], %swap3A_225 {strides = array<i32>} : memref<80xi32, #tpu.memory_space<vmem>>, vector<16xi32>,
      %get3A_226 = arith.constant 32 : index
      %get3A_227 = tpu.vector_load %arg23[%get3A_226] {strides = array<i32>} : memref<80xi32, #tpu.memory_space<vmem>>, vector<16xi32>,
      %get3A_228 = vector.shape_cast %get3A_227 : vector<16xi32> to vector<16xi32>
      %shift_right_arithmetic3A_229 = arith.constant 7 : i32
      %shift_right_arithmetic3A_230 = vector.broadcast %shift_right_arithmetic3A_229 : i32 to vector<16xi32>
      %shift_right_arithmetic3A_231 = arith.shrsi %get3A_228, %shift_right_arithmetic3A_230 : vector<16xi32>
      %swap3A_232 = arith.constant 32 : index
      %swap3A_233 = tpu.vector_load %arg24[%swap3A_232] {strides = array<i32>} : memref<80xi32, #tpu.memory_space<vmem>>, vector<16xi32>,
      %swap3A_234 = vector.shape_cast %swap3A_233 : vector<16xi32> to vector<16xi32>
      %swap3A_235 = vector.shape_cast %shift_right_arithmetic3A_231 : vector<16xi32> to vector<16xi32>
      tpu.vector_store %arg24[%swap3A_232], %swap3A_235 {strides = array<i32>} : memref<80xi32, #tpu.memory_space<vmem>>, vector<16xi32>,
      %and3A_236 = arith.constant 127 : i32
      %and3A_237 = vector.broadcast %and3A_236 : i32 to vector<16xi32>
      %and3A_238 = arith.andi %get3A_228, %and3A_237 : vector<16xi32>
      %swap3A_239 = arith.constant 32 : index
      %swap3A_240 = tpu.vector_load %arg25[%swap3A_239] {strides = array<i32>} : memref<80xi32, #tpu.memory_space<vmem>>, vector<16xi32>,
      %swap3A_241 = vector.shape_cast %swap3A_240 : vector<16xi32> to vector<16xi32>
      %swap3A_242 = vector.shape_cast %and3A_238 : vector<16xi32> to vector<16xi32>
      tpu.vector_store %arg25[%swap3A_239], %swap3A_242 {strides = array<i32>} : memref<80xi32, #tpu.memory_space<vmem>>, vector<16xi32>,
      %get3A_243 = arith.constant 48 : index
      %get3A_244 = tpu.vector_load %arg23[%get3A_243] {strides = array<i32>} : memref<80xi32, #tpu.memory_space<vmem>>, vector<16xi32>,
      %get3A_245 = vector.shape_cast %get3A_244 : vector<16xi32> to vector<16xi32>
      %shift_right_arithmetic3A_246 = arith.constant 7 : i32
      %shift_right_arithmetic3A_247 = vector.broadcast %shift_right_arithmetic3A_246 : i32 to vector<16xi32>
      %shift_right_arithmetic3A_248 = arith.shrsi %get3A_245, %shift_right_arithmetic3A_247 : vector<16xi32>
      %swap3A_249 = arith.constant 48 : index
      %swap3A_250 = tpu.vector_load %arg24[%swap3A_249] {strides = array<i32>} : memref<80xi32, #tpu.memory_space<vmem>>, vector<16xi32>,
      %swap3A_251 = vector.shape_cast %swap3A_250 : vector<16xi32> to vector<16xi32>
      %swap3A_252 = vector.shape_cast %shift_right_arithmetic3A_248 : vector<16xi32> to vector<16xi32>
      tpu.vector_store %arg24[%swap3A_249], %swap3A_252 {strides = array<i32>} : memref<80xi32, #tpu.memory_space<vmem>>, vector<16xi32>,
      %and3A_253 = arith.constant 127 : i32
      %and3A_254 = vector.broadcast %and3A_253 : i32 to vector<16xi32>
      %and3A_255 = arith.andi %get3A_245, %and3A_254 : vector<16xi32>
      %swap3A_256 = arith.constant 48 : index
      %swap3A_257 = tpu.vector_load %arg25[%swap3A_256] {strides = array<i32>} : memref<80xi32, #tpu.memory_space<vmem>>, vector<16xi32>,
      %swap3A_258 = vector.shape_cast %swap3A_257 : vector<16xi32> to vector<16xi32>
      %swap3A_259 = vector.shape_cast %and3A_255 : vector<16xi32> to vector<16xi32>
      tpu.vector_store %arg25[%swap3A_256], %swap3A_259 {strides = array<i32>} : memref<80xi32, #tpu.memory_space<vmem>>, vector<16xi32>,
      %get3A_260 = arith.constant 64 : index
      %get3A_261 = tpu.vector_load %arg23[%get3A_260] {strides = array<i32>} : memref<80xi32, #tpu.memory_space<vmem>>, vector<16xi32>,
      %get3A_262 = vector.shape_cast %get3A_261 : vector<16xi32> to vector<16xi32>
      %shift_right_arithmetic3A_263 = arith.constant 7 : i32
      %shift_right_arithmetic3A_264 = vector.broadcast %shift_right_arithmetic3A_263 : i32 to vector<16xi32>
      %shift_right_arithmetic3A_265 = arith.shrsi %get3A_262, %shift_right_arithmetic3A_264 : vector<16xi32>
      %swap3A_266 = arith.constant 64 : index
      %swap3A_267 = tpu.vector_load %arg24[%swap3A_266] {strides = array<i32>} : memref<80xi32, #tpu.memory_space<vmem>>, vector<16xi32>,
      %swap3A_268 = vector.shape_cast %swap3A_267 : vector<16xi32> to vector<16xi32>
      %swap3A_269 = vector.shape_cast %shift_right_arithmetic3A_265 : vector<16xi32> to vector<16xi32>
      tpu.vector_store %arg24[%swap3A_266], %swap3A_269 {strides = array<i32>} : memref<80xi32, #tpu.memory_space<vmem>>, vector<16xi32>,
      %and3A_270 = arith.constant 127 : i32
      %and3A_271 = vector.broadcast %and3A_270 : i32 to vector<16xi32>
      %and3A_272 = arith.andi %get3A_262, %and3A_271 : vector<16xi32>
      %swap3A_273 = arith.constant 64 : index
      %swap3A_274 = tpu.vector_load %arg25[%swap3A_273] {strides = array<i32>} : memref<80xi32, #tpu.memory_space<vmem>>, vector<16xi32>,
      %swap3A_275 = vector.shape_cast %swap3A_274 : vector<16xi32> to vector<16xi32>
      %swap3A_276 = vector.shape_cast %and3A_272 : vector<16xi32> to vector<16xi32>
      tpu.vector_store %arg25[%swap3A_273], %swap3A_276 {strides = array<i32>} : memref<80xi32, #tpu.memory_space<vmem>>, vector<16xi32>,
      %dma_start3A_277 = arith.constant 0 : i32
      %dma_start3A_278 = arith.constant 0 : i32
      %dma_start3A_279 = tpu.memref_slice %arg2[%dma_start3A_277, %dma_start3A_278] : memref<10000x128xf32, #tpu.memory_space<hbm>> -> memref<10000x128xf32, #tpu.memory_space<hbm>>
      tpu.enqueue_indirect_dma source(%dma_start3A_279 : memref<10000x128xf32, #tpu.memory_space<hbm>>) target(%arg26 : memref<80x128xf32, #tpu.memory_space<vmem>>) offsets(%arg22 : memref<80xi32, #tpu.memory_space<vmem>>) semaphore(%arg28 : memref<!tpu.dma_semaphore, #tpu.memory_space<semaphore_mem>>)
      %dma_start3A_280 = arith.constant 0 : i32
      %dma_start3A_281 = arith.constant 0 : i32
      %dma_start3A_282 = tpu.memref_slice %arg10[%dma_start3A_280, %dma_start3A_281] : memref<128x128xf32, #tpu.memory_space<vmem_shared>> -> memref<128x128xf32, #tpu.memory_space<vmem_shared>>
      tpu.enqueue_indirect_dma source(%dma_start3A_282 : memref<128x128xf32, #tpu.memory_space<vmem_shared>>) target(%arg27 : memref<80x128xf32, #tpu.memory_space<vmem>>) offsets(%arg25 : memref<80xi32, #tpu.memory_space<vmem>>) semaphore(%arg29 : memref<!tpu.dma_semaphore, #tpu.memory_space<semaphore_mem>>)
      %dma_wait3A_283 = arith.constant 0 : i32
      %dma_wait3A_284 = arith.constant 0 : i32
      %dma_wait3A_285 = tpu.memref_slice %arg2[%dma_wait3A_283, %dma_wait3A_284] : memref<10000x128xf32, #tpu.memory_space<hbm>> -> memref<10000x128xf32, #tpu.memory_space<hbm>>
      tpu.wait_indirect_dma semaphore(%arg18 : memref<!tpu.dma_semaphore, #tpu.memory_space<semaphore_mem>>) src(%dma_wait3A_285 : memref<10000x128xf32, #tpu.memory_space<hbm>>) dst(%arg16 : memref<80x128xf32, #tpu.memory_space<vmem>>)
      %dma_start3A_286 = arith.constant 0 : i32
      %dma_start3A_287 = arith.constant 0 : i32
      %dma_start3A_288 = tpu.memref_slice %arg8[%dma_start3A_286, %dma_start3A_287] : memref<10240x128xf32, #tpu.memory_space<vmem_shared>> -> memref<10240x128xf32, #tpu.memory_space<vmem_shared>>
      tpu.enqueue_indirect_dma source(%arg16 : memref<80x128xf32, #tpu.memory_space<vmem>>) target(%dma_start3A_288 : memref<10240x128xf32, #tpu.memory_space<vmem_shared>>) offsets(%arg13 : memref<80xi32, #tpu.memory_space<vmem>>) semaphore(%arg20 : memref<!tpu.dma_semaphore, #tpu.memory_space<semaphore_mem>>) {add = true}
      %dma_wait3A_289 = arith.constant 0 : i32
      %dma_wait3A_290 = arith.constant 0 : i32
      %dma_wait3A_291 = tpu.memref_slice %arg10[%dma_wait3A_289, %dma_wait3A_290] : memref<128x128xf32, #tpu.memory_space<vmem_shared>> -> memref<128x128xf32, #tpu.memory_space<vmem_shared>>
      tpu.wait_indirect_dma semaphore(%arg19 : memref<!tpu.dma_semaphore, #tpu.memory_space<semaphore_mem>>) src(%dma_wait3A_291 : memref<128x128xf32, #tpu.memory_space<vmem_shared>>) dst(%arg17 : memref<80x128xf32, #tpu.memory_space<vmem>>)
      %dma_start3A_292 = arith.constant 0 : i32
      %dma_start3A_293 = arith.constant 0 : i32
      %dma_start3A_294 = tpu.memref_slice %arg9[%dma_start3A_292, %dma_start3A_293] : memref<80x128xf32, #tpu.memory_space<vmem_shared>> -> memref<80x128xf32, #tpu.memory_space<vmem_shared>>
      tpu.enqueue_indirect_dma source(%arg17 : memref<80x128xf32, #tpu.memory_space<vmem>>) target(%dma_start3A_294 : memref<80x128xf32, #tpu.memory_space<vmem_shared>>) offsets(%arg14 : memref<80xi32, #tpu.memory_space<vmem>>) semaphore(%arg21 : memref<!tpu.dma_semaphore, #tpu.memory_space<semaphore_mem>>) {add = true}
      %add3A_295 = arith.constant 2 : i32
      %add3A_296 = arith.addi %mul3A_182, %add3A_295 : i32
      %ge3A_297 = arith.constant 2 : i32
      %ge3A_298 = arith.cmpi sge, %add3A_296, %ge3A_297 : i32
      %convert_element_type3A_299 = arith.extui %ge3A_298 : i1 to i32
      %cond3A_300 = arith.constant 0 : i32
      %cond3A_301 = arith.cmpi ne, %convert_element_type3A_299, %cond3A_300 : i32
      scf.if %cond3A_301 {
        %dma_wait3A_408 = arith.constant 0 : i32
        %dma_wait3A_409 = arith.constant 0 : i32
        %dma_wait3A_410 = tpu.memref_slice %arg8[%dma_wait3A_408, %dma_wait3A_409] : memref<10240x128xf32, #tpu.memory_space<vmem_shared>> -> memref<10240x128xf32, #tpu.memory_space<vmem_shared>>
        tpu.wait_indirect_dma semaphore(%arg20 : memref<!tpu.dma_semaphore, #tpu.memory_space<semaphore_mem>>) src(%arg16 : memref<80x128xf32, #tpu.memory_space<vmem>>) dst(%dma_wait3A_410 : memref<10240x128xf32, #tpu.memory_space<vmem_shared>>)
        %dma_wait3A_411 = arith.constant 0 : i32
        %dma_wait3A_412 = arith.constant 0 : i32
        %dma_wait3A_413 = tpu.memref_slice %arg9[%dma_wait3A_411, %dma_wait3A_412] : memref<80x128xf32, #tpu.memory_space<vmem_shared>> -> memref<80x128xf32, #tpu.memory_space<vmem_shared>>
        tpu.wait_indirect_dma semaphore(%arg21 : memref<!tpu.dma_semaphore, #tpu.memory_space<semaphore_mem>>) src(%arg17 : memref<80x128xf32, #tpu.memory_space<vmem>>) dst(%dma_wait3A_413 : memref<80x128xf32, #tpu.memory_space<vmem_shared>>)
      } else {
      }
      %mul3A_302 = arith.constant 80 : i32
      %mul3A_303 = arith.muli %add3A_296, %mul3A_302 : i32
      %add3A_304 = arith.addi %mul3A_56, %mul3A_303 : i32
      "tpu.region"() ({
        %run_scoped3A = tpu.sem_alloc : memref<!tpu.dma_semaphore, #tpu.memory_space<semaphore_mem>>
        %dma_start3A_408 = tpu.memref_slice %arg3[%add3A_304] : memref<320000xi32, #tpu.memory_space<hbm>> -> memref<80xi32, #tpu.memory_space<hbm>>
        %dma_start3A_409 = tpu.memref_slice %arg3[%add3A_304] : memref<320000xi32, #tpu.memory_space<hbm>> -> memref<80xi32, #tpu.memory_space<hbm>>
        tpu.enqueue_dma source(%dma_start3A_409 : memref<80xi32, #tpu.memory_space<hbm>>) target(%arg12 : memref<80xi32, #tpu.memory_space<vmem>>) target_semaphore(%run_scoped3A : memref<!tpu.dma_semaphore, #tpu.memory_space<semaphore_mem>>)
        %dma_wait3A_410 = tpu.memref_slice %arg3[%add3A_304] : memref<320000xi32, #tpu.memory_space<hbm>> -> memref<80xi32, #tpu.memory_space<hbm>>
        %dma_wait3A_411 = tpu.memref_slice %arg3[%add3A_304] : memref<320000xi32, #tpu.memory_space<hbm>> -> memref<80xi32, #tpu.memory_space<hbm>>
        tpu.wait_dma2 semaphore(%run_scoped3A : memref<!tpu.dma_semaphore, #tpu.memory_space<semaphore_mem>>) src(%dma_wait3A_411 : memref<80xi32, #tpu.memory_space<hbm>>) dst(%arg12 : memref<80xi32, #tpu.memory_space<vmem>>)
        tpu.yield
      }) : () -> ()
      "tpu.region"() ({
        %run_scoped3A = tpu.sem_alloc : memref<!tpu.dma_semaphore, #tpu.memory_space<semaphore_mem>>
        %dma_start3A_408 = tpu.memref_slice %arg4[%add3A_304] : memref<320000xi32, #tpu.memory_space<hbm>> -> memref<80xi32, #tpu.memory_space<hbm>>
        %dma_start3A_409 = tpu.memref_slice %arg4[%add3A_304] : memref<320000xi32, #tpu.memory_space<hbm>> -> memref<80xi32, #tpu.memory_space<hbm>>
        tpu.enqueue_dma source(%dma_start3A_409 : memref<80xi32, #tpu.memory_space<hbm>>) target(%arg13 : memref<80xi32, #tpu.memory_space<vmem>>) target_semaphore(%run_scoped3A : memref<!tpu.dma_semaphore, #tpu.memory_space<semaphore_mem>>)
        %dma_wait3A_410 = tpu.memref_slice %arg4[%add3A_304] : memref<320000xi32, #tpu.memory_space<hbm>> -> memref<80xi32, #tpu.memory_space<hbm>>
        %dma_wait3A_411 = tpu.memref_slice %arg4[%add3A_304] : memref<320000xi32, #tpu.memory_space<hbm>> -> memref<80xi32, #tpu.memory_space<hbm>>
        tpu.wait_dma2 semaphore(%run_scoped3A : memref<!tpu.dma_semaphore, #tpu.memory_space<semaphore_mem>>) src(%dma_wait3A_411 : memref<80xi32, #tpu.memory_space<hbm>>) dst(%arg13 : memref<80xi32, #tpu.memory_space<vmem>>)
        tpu.yield
      }) : () -> ()
      %get3A_305 = arith.constant 0 : index
      %get3A_306 = tpu.vector_load %arg13[%get3A_305] {strides = array<i32>} : memref<80xi32, #tpu.memory_space<vmem>>, vector<16xi32>,
      %get3A_307 = vector.shape_cast %get3A_306 : vector<16xi32> to vector<16xi32>
      %shift_right_arithmetic3A_308 = arith.constant 7 : i32
      %shift_right_arithmetic3A_309 = vector.broadcast %shift_right_arithmetic3A_308 : i32 to vector<16xi32>
      %shift_right_arithmetic3A_310 = arith.shrsi %get3A_307, %shift_right_arithmetic3A_309 : vector<16xi32>
      %swap3A_311 = arith.constant 0 : index
      %swap3A_312 = tpu.vector_load %arg14[%swap3A_311] {strides = array<i32>} : memref<80xi32, #tpu.memory_space<vmem>>, vector<16xi32>,
      %swap3A_313 = vector.shape_cast %swap3A_312 : vector<16xi32> to vector<16xi32>
      %swap3A_314 = vector.shape_cast %shift_right_arithmetic3A_310 : vector<16xi32> to vector<16xi32>
      tpu.vector_store %arg14[%swap3A_311], %swap3A_314 {strides = array<i32>} : memref<80xi32, #tpu.memory_space<vmem>>, vector<16xi32>,
      %and3A_315 = arith.constant 127 : i32
      %and3A_316 = vector.broadcast %and3A_315 : i32 to vector<16xi32>
      %and3A_317 = arith.andi %get3A_307, %and3A_316 : vector<16xi32>
      %swap3A_318 = arith.constant 0 : index
      %swap3A_319 = tpu.vector_load %arg15[%swap3A_318] {strides = array<i32>} : memref<80xi32, #tpu.memory_space<vmem>>, vector<16xi32>,
      %swap3A_320 = vector.shape_cast %swap3A_319 : vector<16xi32> to vector<16xi32>
      %swap3A_321 = vector.shape_cast %and3A_317 : vector<16xi32> to vector<16xi32>
      tpu.vector_store %arg15[%swap3A_318], %swap3A_321 {strides = array<i32>} : memref<80xi32, #tpu.memory_space<vmem>>, vector<16xi32>,
      %get3A_322 = arith.constant 16 : index
      %get3A_323 = tpu.vector_load %arg13[%get3A_322] {strides = array<i32>} : memref<80xi32, #tpu.memory_space<vmem>>, vector<16xi32>,
      %get3A_324 = vector.shape_cast %get3A_323 : vector<16xi32> to vector<16xi32>
      %shift_right_arithmetic3A_325 = arith.constant 7 : i32
      %shift_right_arithmetic3A_326 = vector.broadcast %shift_right_arithmetic3A_325 : i32 to vector<16xi32>
      %shift_right_arithmetic3A_327 = arith.shrsi %get3A_324, %shift_right_arithmetic3A_326 : vector<16xi32>
      %swap3A_328 = arith.constant 16 : index
      %swap3A_329 = tpu.vector_load %arg14[%swap3A_328] {strides = array<i32>} : memref<80xi32, #tpu.memory_space<vmem>>, vector<16xi32>,
      %swap3A_330 = vector.shape_cast %swap3A_329 : vector<16xi32> to vector<16xi32>
      %swap3A_331 = vector.shape_cast %shift_right_arithmetic3A_327 : vector<16xi32> to vector<16xi32>
      tpu.vector_store %arg14[%swap3A_328], %swap3A_331 {strides = array<i32>} : memref<80xi32, #tpu.memory_space<vmem>>, vector<16xi32>,
      %and3A_332 = arith.constant 127 : i32
      %and3A_333 = vector.broadcast %and3A_332 : i32 to vector<16xi32>
      %and3A_334 = arith.andi %get3A_324, %and3A_333 : vector<16xi32>
      %swap3A_335 = arith.constant 16 : index
      %swap3A_336 = tpu.vector_load %arg15[%swap3A_335] {strides = array<i32>} : memref<80xi32, #tpu.memory_space<vmem>>, vector<16xi32>,
      %swap3A_337 = vector.shape_cast %swap3A_336 : vector<16xi32> to vector<16xi32>
      %swap3A_338 = vector.shape_cast %and3A_334 : vector<16xi32> to vector<16xi32>
      tpu.vector_store %arg15[%swap3A_335], %swap3A_338 {strides = array<i32>} : memref<80xi32, #tpu.memory_space<vmem>>, vector<16xi32>,
      %get3A_339 = arith.constant 32 : index
      %get3A_340 = tpu.vector_load %arg13[%get3A_339] {strides = array<i32>} : memref<80xi32, #tpu.memory_space<vmem>>, vector<16xi32>,
      %get3A_341 = vector.shape_cast %get3A_340 : vector<16xi32> to vector<16xi32>
      %shift_right_arithmetic3A_342 = arith.constant 7 : i32
      %shift_right_arithmetic3A_343 = vector.broadcast %shift_right_arithmetic3A_342 : i32 to vector<16xi32>
      %shift_right_arithmetic3A_344 = arith.shrsi %get3A_341, %shift_right_arithmetic3A_343 : vector<16xi32>
      %swap3A_345 = arith.constant 32 : index
      %swap3A_346 = tpu.vector_load %arg14[%swap3A_345] {strides = array<i32>} : memref<80xi32, #tpu.memory_space<vmem>>, vector<16xi32>,
      %swap3A_347 = vector.shape_cast %swap3A_346 : vector<16xi32> to vector<16xi32>
      %swap3A_348 = vector.shape_cast %shift_right_arithmetic3A_344 : vector<16xi32> to vector<16xi32>
      tpu.vector_store %arg14[%swap3A_345], %swap3A_348 {strides = array<i32>} : memref<80xi32, #tpu.memory_space<vmem>>, vector<16xi32>,
      %and3A_349 = arith.constant 127 : i32
      %and3A_350 = vector.broadcast %and3A_349 : i32 to vector<16xi32>
      %and3A_351 = arith.andi %get3A_341, %and3A_350 : vector<16xi32>
      %swap3A_352 = arith.constant 32 : index
      %swap3A_353 = tpu.vector_load %arg15[%swap3A_352] {strides = array<i32>} : memref<80xi32, #tpu.memory_space<vmem>>, vector<16xi32>,
      %swap3A_354 = vector.shape_cast %swap3A_353 : vector<16xi32> to vector<16xi32>
      %swap3A_355 = vector.shape_cast %and3A_351 : vector<16xi32> to vector<16xi32>
      tpu.vector_store %arg15[%swap3A_352], %swap3A_355 {strides = array<i32>} : memref<80xi32, #tpu.memory_space<vmem>>, vector<16xi32>,
      %get3A_356 = arith.constant 48 : index
      %get3A_357 = tpu.vector_load %arg13[%get3A_356] {strides = array<i32>} : memref<80xi32, #tpu.memory_space<vmem>>, vector<16xi32>,
      %get3A_358 = vector.shape_cast %get3A_357 : vector<16xi32> to vector<16xi32>
      %shift_right_arithmetic3A_359 = arith.constant 7 : i32
      %shift_right_arithmetic3A_360 = vector.broadcast %shift_right_arithmetic3A_359 : i32 to vector<16xi32>
      %shift_right_arithmetic3A_361 = arith.shrsi %get3A_358, %shift_right_arithmetic3A_360 : vector<16xi32>
      %swap3A_362 = arith.constant 48 : index
      %swap3A_363 = tpu.vector_load %arg14[%swap3A_362] {strides = array<i32>} : memref<80xi32, #tpu.memory_space<vmem>>, vector<16xi32>,
      %swap3A_364 = vector.shape_cast %swap3A_363 : vector<16xi32> to vector<16xi32>
      %swap3A_365 = vector.shape_cast %shift_right_arithmetic3A_361 : vector<16xi32> to vector<16xi32>
      tpu.vector_store %arg14[%swap3A_362], %swap3A_365 {strides = array<i32>} : memref<80xi32, #tpu.memory_space<vmem>>, vector<16xi32>,
      %and3A_366 = arith.constant 127 : i32
      %and3A_367 = vector.broadcast %and3A_366 : i32 to vector<16xi32>
      %and3A_368 = arith.andi %get3A_358, %and3A_367 : vector<16xi32>
      %swap3A_369 = arith.constant 48 : index
      %swap3A_370 = tpu.vector_load %arg15[%swap3A_369] {strides = array<i32>} : memref<80xi32, #tpu.memory_space<vmem>>, vector<16xi32>,
      %swap3A_371 = vector.shape_cast %swap3A_370 : vector<16xi32> to vector<16xi32>
      %swap3A_372 = vector.shape_cast %and3A_368 : vector<16xi32> to vector<16xi32>
      tpu.vector_store %arg15[%swap3A_369], %swap3A_372 {strides = array<i32>} : memref<80xi32, #tpu.memory_space<vmem>>, vector<16xi32>,
      %get3A_373 = arith.constant 64 : index
      %get3A_374 = tpu.vector_load %arg13[%get3A_373] {strides = array<i32>} : memref<80xi32, #tpu.memory_space<vmem>>, vector<16xi32>,
      %get3A_375 = vector.shape_cast %get3A_374 : vector<16xi32> to vector<16xi32>
      %shift_right_arithmetic3A_376 = arith.constant 7 : i32
      %shift_right_arithmetic3A_377 = vector.broadcast %shift_right_arithmetic3A_376 : i32 to vector<16xi32>
      %shift_right_arithmetic3A_378 = arith.shrsi %get3A_375, %shift_right_arithmetic3A_377 : vector<16xi32>
      %swap3A_379 = arith.constant 64 : index
      %swap3A_380 = tpu.vector_load %arg14[%swap3A_379] {strides = array<i32>} : memref<80xi32, #tpu.memory_space<vmem>>, vector<16xi32>,
      %swap3A_381 = vector.shape_cast %swap3A_380 : vector<16xi32> to vector<16xi32>
      %swap3A_382 = vector.shape_cast %shift_right_arithmetic3A_378 : vector<16xi32> to vector<16xi32>
      tpu.vector_store %arg14[%swap3A_379], %swap3A_382 {strides = array<i32>} : memref<80xi32, #tpu.memory_space<vmem>>, vector<16xi32>,
      %and3A_383 = arith.constant 127 : i32
      %and3A_384 = vector.broadcast %and3A_383 : i32 to vector<16xi32>
      %and3A_385 = arith.andi %get3A_375, %and3A_384 : vector<16xi32>
      %swap3A_386 = arith.constant 64 : index
      %swap3A_387 = tpu.vector_load %arg15[%swap3A_386] {strides = array<i32>} : memref<80xi32, #tpu.memory_space<vmem>>, vector<16xi32>,
      %swap3A_388 = vector.shape_cast %swap3A_387 : vector<16xi32> to vector<16xi32>
      %swap3A_389 = vector.shape_cast %and3A_385 : vector<16xi32> to vector<16xi32>
      tpu.vector_store %arg15[%swap3A_386], %swap3A_389 {strides = array<i32>} : memref<80xi32, #tpu.memory_space<vmem>>, vector<16xi32>,
      %dma_start3A_390 = arith.constant 0 : i32
      %dma_start3A_391 = arith.constant 0 : i32
      %dma_start3A_392 = tpu.memref_slice %arg2[%dma_start3A_390, %dma_start3A_391] : memref<10000x128xf32, #tpu.memory_space<hbm>> -> memref<10000x128xf32, #tpu.memory_space<hbm>>
      tpu.enqueue_indirect_dma source(%dma_start3A_392 : memref<10000x128xf32, #tpu.memory_space<hbm>>) target(%arg16 : memref<80x128xf32, #tpu.memory_space<vmem>>) offsets(%arg12 : memref<80xi32, #tpu.memory_space<vmem>>) semaphore(%arg18 : memref<!tpu.dma_semaphore, #tpu.memory_space<semaphore_mem>>)
      %dma_start3A_393 = arith.constant 0 : i32
      %dma_start3A_394 = arith.constant 0 : i32
      %dma_start3A_395 = tpu.memref_slice %arg10[%dma_start3A_393, %dma_start3A_394] : memref<128x128xf32, #tpu.memory_space<vmem_shared>> -> memref<128x128xf32, #tpu.memory_space<vmem_shared>>
      tpu.enqueue_indirect_dma source(%dma_start3A_395 : memref<128x128xf32, #tpu.memory_space<vmem_shared>>) target(%arg17 : memref<80x128xf32, #tpu.memory_space<vmem>>) offsets(%arg15 : memref<80xi32, #tpu.memory_space<vmem>>) semaphore(%arg19 : memref<!tpu.dma_semaphore, #tpu.memory_space<semaphore_mem>>)
      %dma_wait3A_396 = arith.constant 0 : i32
      %dma_wait3A_397 = arith.constant 0 : i32
      %dma_wait3A_398 = tpu.memref_slice %arg2[%dma_wait3A_396, %dma_wait3A_397] : memref<10000x128xf32, #tpu.memory_space<hbm>> -> memref<10000x128xf32, #tpu.memory_space<hbm>>
      tpu.wait_indirect_dma semaphore(%arg28 : memref<!tpu.dma_semaphore, #tpu.memory_space<semaphore_mem>>) src(%dma_wait3A_398 : memref<10000x128xf32, #tpu.memory_space<hbm>>) dst(%arg26 : memref<80x128xf32, #tpu.memory_space<vmem>>)
      %dma_start3A_399 = arith.constant 0 : i32
      %dma_start3A_400 = arith.constant 0 : i32
      %dma_start3A_401 = tpu.memref_slice %arg8[%dma_start3A_399, %dma_start3A_400] : memref<10240x128xf32, #tpu.memory_space<vmem_shared>> -> memref<10240x128xf32, #tpu.memory_space<vmem_shared>>
      tpu.enqueue_indirect_dma source(%arg26 : memref<80x128xf32, #tpu.memory_space<vmem>>) target(%dma_start3A_401 : memref<10240x128xf32, #tpu.memory_space<vmem_shared>>) offsets(%arg23 : memref<80xi32, #tpu.memory_space<vmem>>) semaphore(%arg30 : memref<!tpu.dma_semaphore, #tpu.memory_space<semaphore_mem>>) {add = true}
      %dma_wait3A_402 = arith.constant 0 : i32
      %dma_wait3A_403 = arith.constant 0 : i32
      %dma_wait3A_404 = tpu.memref_slice %arg10[%dma_wait3A_402, %dma_wait3A_403] : memref<128x128xf32, #tpu.memory_space<vmem_shared>> -> memref<128x128xf32, #tpu.memory_space<vmem_shared>>
      tpu.wait_indirect_dma semaphore(%arg29 : memref<!tpu.dma_semaphore, #tpu.memory_space<semaphore_mem>>) src(%dma_wait3A_404 : memref<128x128xf32, #tpu.memory_space<vmem_shared>>) dst(%arg27 : memref<80x128xf32, #tpu.memory_space<vmem>>)
      %dma_start3A_405 = arith.constant 0 : i32
      %dma_start3A_406 = arith.constant 0 : i32
      %dma_start3A_407 = tpu.memref_slice %arg9[%dma_start3A_405, %dma_start3A_406] : memref<80x128xf32, #tpu.memory_space<vmem_shared>> -> memref<80x128xf32, #tpu.memory_space<vmem_shared>>
      tpu.enqueue_indirect_dma source(%arg27 : memref<80x128xf32, #tpu.memory_space<vmem>>) target(%dma_start3A_407 : memref<80x128xf32, #tpu.memory_space<vmem_shared>>) offsets(%arg24 : memref<80xi32, #tpu.memory_space<vmem>>) semaphore(%arg31 : memref<!tpu.dma_semaphore, #tpu.memory_space<semaphore_mem>>) {add = true}
    }
    %scan3A_150 = arith.constant 62 : i32
    %dma_wait3A = arith.constant 0 : i32
    %dma_wait3A_151 = arith.constant 0 : i32
    %dma_wait3A_152 = tpu.memref_slice %arg2[%dma_wait3A, %dma_wait3A_151] : memref<10000x128xf32, #tpu.memory_space<hbm>> -> memref<10000x128xf32, #tpu.memory_space<hbm>>
    tpu.wait_indirect_dma semaphore(%arg18 : memref<!tpu.dma_semaphore, #tpu.memory_space<semaphore_mem>>) src(%dma_wait3A_152 : memref<10000x128xf32, #tpu.memory_space<hbm>>) dst(%arg16 : memref<80x128xf32, #tpu.memory_space<vmem>>)
    %dma_start3A_153 = arith.constant 0 : i32
    %dma_start3A_154 = arith.constant 0 : i32
    %dma_start3A_155 = tpu.memref_slice %arg8[%dma_start3A_153, %dma_start3A_154] : memref<10240x128xf32, #tpu.memory_space<vmem_shared>> -> memref<10240x128xf32, #tpu.memory_space<vmem_shared>>
    tpu.enqueue_indirect_dma source(%arg16 : memref<80x128xf32, #tpu.memory_space<vmem>>) target(%dma_start3A_155 : memref<10240x128xf32, #tpu.memory_space<vmem_shared>>) offsets(%arg13 : memref<80xi32, #tpu.memory_space<vmem>>) semaphore(%arg20 : memref<!tpu.dma_semaphore, #tpu.memory_space<semaphore_mem>>) {add = true}
    %dma_wait3A_156 = arith.constant 0 : i32
    %dma_wait3A_157 = arith.constant 0 : i32
    %dma_wait3A_158 = tpu.memref_slice %arg10[%dma_wait3A_156, %dma_wait3A_157] : memref<128x128xf32, #tpu.memory_space<vmem_shared>> -> memref<128x128xf32, #tpu.memory_space<vmem_shared>>
    tpu.wait_indirect_dma semaphore(%arg19 : memref<!tpu.dma_semaphore, #tpu.memory_space<semaphore_mem>>) src(%dma_wait3A_158 : memref<128x128xf32, #tpu.memory_space<vmem_shared>>) dst(%arg17 : memref<80x128xf32, #tpu.memory_space<vmem>>)
    %dma_start3A_159 = arith.constant 0 : i32
    %dma_start3A_160 = arith.constant 0 : i32
    %dma_start3A_161 = tpu.memref_slice %arg9[%dma_start3A_159, %dma_start3A_160] : memref<80x128xf32, #tpu.memory_space<vmem_shared>> -> memref<80x128xf32, #tpu.memory_space<vmem_shared>>
    tpu.enqueue_indirect_dma source(%arg17 : memref<80x128xf32, #tpu.memory_space<vmem>>) target(%dma_start3A_161 : memref<80x128xf32, #tpu.memory_space<vmem_shared>>) offsets(%arg14 : memref<80xi32, #tpu.memory_space<vmem>>) semaphore(%arg21 : memref<!tpu.dma_semaphore, #tpu.memory_space<semaphore_mem>>) {add = true}
    %dma_wait3A_162 = arith.constant 0 : i32
    %dma_wait3A_163 = arith.constant 0 : i32
    %dma_wait3A_164 = tpu.memref_slice %arg8[%dma_wait3A_162, %dma_wait3A_163] : memref<10240x128xf32, #tpu.memory_space<vmem_shared>> -> memref<10240x128xf32, #tpu.memory_space<vmem_shared>>
    tpu.wait_indirect_dma semaphore(%arg30 : memref<!tpu.dma_semaphore, #tpu.memory_space<semaphore_mem>>) src(%arg26 : memref<80x128xf32, #tpu.memory_space<vmem>>) dst(%dma_wait3A_164 : memref<10240x128xf32, #tpu.memory_space<vmem_shared>>)
    %dma_wait3A_165 = arith.constant 0 : i32
    %dma_wait3A_166 = arith.constant 0 : i32
    %dma_wait3A_167 = tpu.memref_slice %arg9[%dma_wait3A_165, %dma_wait3A_166] : memref<80x128xf32, #tpu.memory_space<vmem_shared>> -> memref<80x128xf32, #tpu.memory_space<vmem_shared>>
    tpu.wait_indirect_dma semaphore(%arg31 : memref<!tpu.dma_semaphore, #tpu.memory_space<semaphore_mem>>) src(%arg27 : memref<80x128xf32, #tpu.memory_space<vmem>>) dst(%dma_wait3A_167 : memref<80x128xf32, #tpu.memory_space<vmem_shared>>)
    %dma_wait3A_168 = arith.constant 0 : i32
    %dma_wait3A_169 = arith.constant 0 : i32
    %dma_wait3A_170 = tpu.memref_slice %arg8[%dma_wait3A_168, %dma_wait3A_169] : memref<10240x128xf32, #tpu.memory_space<vmem_shared>> -> memref<10240x128xf32, #tpu.memory_space<vmem_shared>>
    tpu.wait_indirect_dma semaphore(%arg20 : memref<!tpu.dma_semaphore, #tpu.memory_space<semaphore_mem>>) src(%arg16 : memref<80x128xf32, #tpu.memory_space<vmem>>) dst(%dma_wait3A_170 : memref<10240x128xf32, #tpu.memory_space<vmem_shared>>)
    %dma_wait3A_171 = arith.constant 0 : i32
    %dma_wait3A_172 = arith.constant 0 : i32
    %dma_wait3A_173 = tpu.memref_slice %arg9[%dma_wait3A_171, %dma_wait3A_172] : memref<80x128xf32, #tpu.memory_space<vmem_shared>> -> memref<80x128xf32, #tpu.memory_space<vmem_shared>>
    tpu.wait_indirect_dma semaphore(%arg21 : memref<!tpu.dma_semaphore, #tpu.memory_space<semaphore_mem>>) src(%arg17 : memref<80x128xf32, #tpu.memory_space<vmem>>) dst(%dma_wait3A_173 : memref<80x128xf32, #tpu.memory_space<vmem_shared>>)
    %barrier3A_174 = arith.constant 0 : index
    tpu.barrier barrier_id(%barrier3A_174)
    "tpu.region"() ({
      %run_scoped3A = tpu.sem_alloc : memref<!tpu.dma_semaphore, #tpu.memory_space<semaphore_mem>>
      %dma_start3A_180 = arith.constant 0 : i32
      %dma_start3A_181 = tpu.memref_slice %arg6[%arg0, %mul3A_8, %dma_start3A_180] : memref<2x10240x128xf32, #tpu.memory_space<hbm>> -> memref<1x640x128xf32, #tpu.memory_space<hbm>>
      %dma_start3A_182 = tpu.memref_squeeze %dma_start3A_181 : memref<1x640x128xf32, #tpu.memory_space<hbm>> -> memref<640x128xf32, #tpu.memory_space<hbm>>
      %dma_start3A_183 = arith.constant 0 : i32
      %dma_start3A_184 = tpu.memref_slice %arg8[%mul3A_8, %dma_start3A_183] : memref<10240x128xf32, #tpu.memory_space<vmem_shared>> -> memref<640x128xf32, #tpu.memory_space<vmem_shared>>
      tpu.enqueue_dma source(%dma_start3A_184 : memref<640x128xf32, #tpu.memory_space<vmem_shared>>) target(%dma_start3A_182 : memref<640x128xf32, #tpu.memory_space<hbm>>) target_semaphore(%run_scoped3A : memref<!tpu.dma_semaphore, #tpu.memory_space<semaphore_mem>>)
      %dma_wait3A_185 = arith.constant 0 : i32
      %dma_wait3A_186 = tpu.memref_slice %arg6[%arg0, %mul3A_8, %dma_wait3A_185] : memref<2x10240x128xf32, #tpu.memory_space<hbm>> -> memref<1x640x128xf32, #tpu.memory_space<hbm>>
      %dma_wait3A_187 = tpu.memref_squeeze %dma_wait3A_186 : memref<1x640x128xf32, #tpu.memory_space<hbm>> -> memref<640x128xf32, #tpu.memory_space<hbm>>
      %dma_wait3A_188 = arith.constant 0 : i32
      %dma_wait3A_189 = tpu.memref_slice %arg8[%mul3A_8, %dma_wait3A_188] : memref<10240x128xf32, #tpu.memory_space<vmem_shared>> -> memref<640x128xf32, #tpu.memory_space<vmem_shared>>
      tpu.wait_dma2 semaphore(%run_scoped3A : memref<!tpu.dma_semaphore, #tpu.memory_space<semaphore_mem>>) src(%dma_wait3A_189 : memref<640x128xf32, #tpu.memory_space<vmem_shared>>) dst(%dma_wait3A_187 : memref<640x128xf32, #tpu.memory_space<hbm>>)
      tpu.yield
    }) : () -> ()
    %lt3A_175 = arith.constant 10 : i32
    %lt3A_176 = arith.cmpi slt, %arg1, %lt3A_175 : i32
    %convert_element_type3A_177 = arith.extui %lt3A_176 : i1 to i32
    %cond3A_178 = arith.constant 0 : i32
    %cond3A_179 = arith.cmpi ne, %convert_element_type3A_177, %cond3A_178 : i32
    scf.if %cond3A_179 {
      %mul3A_180 = arith.constant 8 : i32
      %mul3A_181 = arith.muli %arg1, %mul3A_180 : i32
      %mul3A_182 = arith.constant 8 : i32
      %mul3A_183 = arith.muli %arg1, %mul3A_182 : i32
      "tpu.region"() ({
        %run_scoped3A = tpu.sem_alloc : memref<!tpu.dma_semaphore, #tpu.memory_space<semaphore_mem>>
        %dma_start3A_184 = arith.constant 0 : i32
        %dma_start3A_185 = tpu.memref_slice %arg7[%arg0, %mul3A_183, %dma_start3A_184] : memref<2x80x128xf32, #tpu.memory_space<hbm>> -> memref<1x8x128xf32, #tpu.memory_space<hbm>>
        %dma_start3A_186 = tpu.memref_squeeze %dma_start3A_185 : memref<1x8x128xf32, #tpu.memory_space<hbm>> -> memref<8x128xf32, #tpu.memory_space<hbm>>
        %dma_start3A_187 = arith.constant 0 : i32
        %dma_start3A_188 = tpu.memref_slice %arg9[%mul3A_181, %dma_start3A_187] : memref<80x128xf32, #tpu.memory_space<vmem_shared>> -> memref<8x128xf32, #tpu.memory_space<vmem_shared>>
        tpu.enqueue_dma source(%dma_start3A_188 : memref<8x128xf32, #tpu.memory_space<vmem_shared>>) target(%dma_start3A_186 : memref<8x128xf32, #tpu.memory_space<hbm>>) target_semaphore(%run_scoped3A : memref<!tpu.dma_semaphore, #tpu.memory_space<semaphore_mem>>)
        %dma_wait3A_189 = arith.constant 0 : i32
        %dma_wait3A_190 = tpu.memref_slice %arg7[%arg0, %mul3A_183, %dma_wait3A_189] : memref<2x80x128xf32, #tpu.memory_space<hbm>> -> memref<1x8x128xf32, #tpu.memory_space<hbm>>
        %dma_wait3A_191 = tpu.memref_squeeze %dma_wait3A_190 : memref<1x8x128xf32, #tpu.memory_space<hbm>> -> memref<8x128xf32, #tpu.memory_space<hbm>>
        %dma_wait3A_192 = arith.constant 0 : i32
        %dma_wait3A_193 = tpu.memref_slice %arg9[%mul3A_181, %dma_wait3A_192] : memref<80x128xf32, #tpu.memory_space<vmem_shared>> -> memref<8x128xf32, #tpu.memory_space<vmem_shared>>
        tpu.wait_dma2 semaphore(%run_scoped3A : memref<!tpu.dma_semaphore, #tpu.memory_space<semaphore_mem>>) src(%dma_wait3A_193 : memref<8x128xf32, #tpu.memory_space<vmem_shared>>) dst(%dma_wait3A_191 : memref<8x128xf32, #tpu.memory_space<hbm>>)
        tpu.yield
      }) : () -> ()
    } else {
    }
    return
  }
}

module attributes {stable_mosaic.version = 14 : i64} {
  func.func @_divide_body(%arg0: i32, %arg1: memref<400x128xf32, #tpu.memory_space<vmem>>, %arg2: memref<400x128xf32, #tpu.memory_space<vmem>>, %arg3: memref<400x1xf32, #tpu.memory_space<vmem>>, %arg4: memref<400x1xf32, #tpu.memory_space<vmem>>, %arg5: memref<400x128xf32, #tpu.memory_space<vmem>>) attributes {dimension_semantics = [#tpu.dimension_semantics<arbitrary>], iteration_bounds = array<i64: 25>, scalar_prefetch = 0 : i64, scratch_operands = 0 : i64, tpu.core_type = #tpu.core_type<tc>, window_params = [{transform_indices = @transform_0, window_bounds = array<i64: 400, 128>}, {transform_indices = @transform_1, window_bounds = array<i64: 400, 128>}, {transform_indices = @transform_2, window_bounds = array<i64: 400, 1>}, {transform_indices = @transform_3, window_bounds = array<i64: 400, 1>}, {transform_indices = @transform_4, window_bounds = array<i64: 400, 128>}]} {
    %get3A = arith.constant 0 : index
    %get3A_0 = arith.constant 0 : index
    %get3A_1 = vector.load %arg3[%get3A, %get3A_0] : memref<400x1xf32, #tpu.memory_space<vmem>>, vector<400x1xf32>
    %get3A_2 = arith.constant 0 : index
    %get3A_3 = arith.constant 0 : index
    %get3A_4 = vector.load %arg4[%get3A_2, %get3A_3] : memref<400x1xf32, #tpu.memory_space<vmem>>, vector<400x1xf32>
    %add3A = arith.addf %get3A_1, %get3A_4 : vector<400x1xf32>
    %get3A_5 = arith.constant 0 : index
    %get3A_6 = arith.constant 0 : index
    %get3A_7 = vector.load %arg1[%get3A_5, %get3A_6] : memref<400x128xf32, #tpu.memory_space<vmem>>, vector<400x128xf32>
    %get3A_8 = arith.constant 0 : index
    %get3A_9 = arith.constant 0 : index
    %get3A_10 = vector.load %arg2[%get3A_8, %get3A_9] : memref<400x128xf32, #tpu.memory_space<vmem>>, vector<400x128xf32>
    %add3A_11 = arith.addf %get3A_7, %get3A_10 : vector<400x128xf32>
    %max3A = arith.constant 1.000000e+00 : f32
    %max3A_12 = vector.broadcast %max3A : f32 to vector<400x1xf32>
    %max3A_13 = arith.maximumf %add3A, %max3A_12 : vector<400x1xf32>
    %div3A = vector.broadcast %max3A_13 : vector<400x1xf32> to vector<400x128xf32>
    %div3A_14 = arith.divf %add3A_11, %div3A : vector<400x128xf32>
    %swap3A = arith.constant 0 : index
    %swap3A_15 = arith.constant 0 : index
    %swap3A_16 = vector.load %arg5[%swap3A, %swap3A_15] : memref<400x128xf32, #tpu.memory_space<vmem>>, vector<400x128xf32>
    tpu.vector_store %arg5[%swap3A, %swap3A_15], %div3A_14 {strides = array<i32>} : memref<400x128xf32, #tpu.memory_space<vmem>>, vector<400x128xf32>,
    return
  }
  func.func @transform_0(%arg0: i32) -> (i32, i32) {
    %c0_i32 = arith.constant 0 : i32
    %c0_i32_0 = arith.constant 0 : i32
    return %arg0, %c0_i32 : i32, i32
  }
  func.func @transform_1(%arg0: i32) -> (i32, i32) {
    %c0_i32 = arith.constant 0 : i32
    %c0_i32_0 = arith.constant 0 : i32
    return %arg0, %c0_i32 : i32, i32
  }
  func.func @transform_2(%arg0: i32) -> (i32, i32) {
    %c0_i32 = arith.constant 0 : i32
    %c0_i32_0 = arith.constant 0 : i32
    return %arg0, %c0_i32 : i32, i32
  }
  func.func @transform_3(%arg0: i32) -> (i32, i32) {
    %c0_i32 = arith.constant 0 : i32
    %c0_i32_0 = arith.constant 0 : i32
    return %arg0, %c0_i32 : i32, i32
  }
  func.func @transform_4(%arg0: i32) -> (i32, i32) {
    %c0_i32 = arith.constant 0 : i32
    %c0_i32_0 = arith.constant 0 : i32
    return %arg0, %c0_i32 : i32, i32
  }
}

</mosaic_0001>

<sc_bundles>
// kernel: kernel.4.cloned.1.call-start
scs
__scs_entry_jumppad:
0x0: {  	(pc) =	sbr.rel $0x88, $3  }
0x1: {  	(tag) =	ssettag $0x0;
	lr =	simm.s32 $0x1  }
0x2: {  	[smem:$0x3F9F] =	sst lr;
	_ =	strace $0xD0000000  }
0x3: {  	_ = 	snop  }
0x4: {  	_ = 	snop  }
0x5: {  	_ = 	snop  }
0x6: {  	_ = 	snop  }
0x7: {  	_ = 	snop  }
__scs_overlays_trampoline_lowered:
0x8: {  	[smem:$0x3FAE] =	sst s0  }
0x9: {  	[smem:$0x3FAF] =	sst s1  }
0xa: {  	[smem:$0x3FB0] =	sst s2  }
0xb: {  	[smem:$0x3FB1] =	sst s3  }
0xc: {  	[smem:$0x3FB2] =	sst s4  }
0xd: {  	[smem:$0x3FB3] =	sst s5  }
0xe: {  	[smem:$0x3FB4] =	sst s6  }
0xf: {  	[smem:$0x3FB5] =	sst s7  }
0x10: {  	[smem:$0x3FB6] =	sst s8  }
0x11: {  	[smem:$0x3FB7] =	sst s9;
	s0 =	simm.s32 @!p0 $0x0  }
0x12: {  	s1 =	sld [smem:$0x3F9D];
	s0 =	simm.s32 @p0 $0x1  }
0x13: {  	[smem:$0x3FB8] =	sst s0;
	s0 =	simm.s32 @!p1 $0x0  }
0x14: {  	s2 =	sld [smem:$0x3F9C];
	s0 =	simm.s32 @p1 $0x1  }
0x15: {  	[smem:$0x3FB9] =	sst s0;
	s0 =	simm.s32 @!p2 $0x0  }
0x16: {  	s3 =	sld [smem:$0x3FDB];
	s0 =	simm.s32 @p2 $0x1  }
0x17: {  	s4 =	simm.s32 $0x1BF5;
	[smem:$0x3FBB] =	sst s0  }
0x18: {  	s0 =	sld [smem:$0x3F9E];
	_ =	swait.ge [sflag:s4], $0x0  }
0x19: {  	s7 =	sld [smem:$0x3F9F]  }
0x1a: {  	s8 =	sadd.s32 $0xFFFFE003, lr  }
0x1b: {  	s9 =	sadd.s32 $0xFFFFFEF7, lr;
	s5 =	simm.s32 $0xFFFFFFFF;
	p2 =	slt.u32 s8, $0xFFFFF086  }
0x1c: {  	p1 =	slt.u32 s9, $0xF7A;
	s5 =	simm.s32 @!p2 $0x0  }
0x1d: {  	s5 =	simm.s32 @p1 $0x1;
	p0 =	seq.s32 s7, s2  }
0x1e: {  	s7 =	smul.u32 @!p0 $0xF7A, s2;
	p2 =	seq.s32 @!p0 s5, $0x0  }
0x1f: {  	s9 =	smul.u32 $0xF7A, s1;
	s8 =	simm.s32 @!p0 $0x1BF5;
	p2 =	por !p2, p0  }
0x20: {  	[sflag:s8] =	ssyncset.s32 @!p0 $0xFFFFF086;
	s6 =	sadd.s32 @!p0 s3, s7;
	s7 =	simm.s32 @!p0 $0x108  }
0x21: {  	s3 =	sadd.s32 s3, s9;
	s6 =	sadd.s32 @!p0 $0x88, s6;
	s7 =	simm.s32 @p2 $0x1082  }
0x22: {  	[simem:s7], [sflag:s8] =	dma.local @!p0 [hbm:s6], $0xF7A  }
0x23: {  	s9 =	sor.u32 $0xD0000000, s2;
	s6 =	simm.s32 $0x108;
	_ =	swait.ge @!p0 [sflag:s8], $0x0  }
0x24: {  	s3 =	sadd.s32 $0x88, s3;
	s6 =	simm.s32 @!p1 $0x1082;
	[sflag:s4] =	ssyncset.s32 $0xFFFFF086  }
0x25: {  	[simem:s6], [sflag:s4] =	dma.local [hbm:s3], $0xF7A  }
0x26: {  	[smem:$0x3F9F] =	sst s1;
	(tag) =	ssettag s2;
	_ =	strace s9  }
0x27: {  	s1 =	sld [smem:$0x3FAF]  }
0x28: {  	s2 =	sld [smem:$0x3FB0]  }
0x29: {  	s4 =	sld [smem:$0x3FB2]  }
0x2a: {  	p0 =	seq.s32 s5, $0x0;
	s5 =	sld [smem:$0x3FB3]  }
0x2b: {  	s6 =	sld [smem:$0x3FB4]  }
0x2c: {  	s7 =	sld [smem:$0x3FB5]  }
0x2d: {  	s3 =	simm.s32 $0x108;
	s8 =	sld [smem:$0x3FB6]  }
0x2e: {  	s3 =	simm.s32 @!p0 $0x1082;
	s9 =	sld [smem:$0x3FB7]  }
0x2f: {  	lr =	sadd.s32 s0, s3;
	s0 =	sld [smem:$0x3FAE]  }
0x30: {  	s3 =	sld [smem:$0x3FB1]  }
0x31: {  	[smem:$0x3FBA] =	sst s10  }
0x32: {  	s10 =	sld [smem:$0x3FB8];
	_ =	sdelay $0x3  }
0x33: {  	p0 =	seq.s32 s10, $0x1;
	s10 =	sld [smem:$0x3FBA];
	_ =	sdelay $0x3  }
0x34: {  	[smem:$0x3FBA] =	sst s10  }
0x35: {  	s10 =	sld [smem:$0x3FB9];
	_ =	sdelay $0x3  }
0x36: {  	p1 =	seq.s32 s10, $0x1;
	s10 =	sld [smem:$0x3FBA];
	_ =	sdelay $0x3  }
0x37: {  	[smem:$0x3FBA] =	sst s10  }
0x38: {  	s10 =	sld [smem:$0x3FBB]  }
0x39: {  	_ = 	snop;
	(pc) =	sbr.ind lr, $3  }
0x3a: {  	_ = 	snop  }
0x3b: {  	_ = 	snop  }
0x3c: {  	p2 =	seq.s32 s10, $0x1;
	s10 =	sld [smem:$0x3FBA]  }
0x3d: {  	_ =	shalt  }
0x3e: {  	_ =	shalt  }
0x3f: {  	_ =	shalt  }
0x40: {  	_ =	shalt  }
0x41: {  	_ =	shalt  }
0x42: {  	_ =	shalt  }
0x43: {  	_ =	shalt  }
0x44: {  	_ =	shalt  }
0x45: {  	_ =	shalt  }
0x46: {  	_ =	shalt  }
0x47: {  	_ =	shalt  }
0x48: {  	_ =	shalt  }
0x49: {  	_ =	shalt  }
0x4a: {  	_ =	shalt  }
0x4b: {  	_ =	shalt  }
0x4c: {  	_ =	shalt  }
0x4d: {  	_ =	shalt  }
0x4e: {  	_ =	shalt  }
0x4f: {  	_ =	shalt  }
0x50: {  	_ =	shalt  }
0x51: {  	_ =	shalt  }
0x52: {  	_ =	shalt  }
0x53: {  	_ =	shalt  }
0x54: {  	_ =	shalt  }
0x55: {  	_ =	shalt  }
0x56: {  	_ =	shalt  }
0x57: {  	_ =	shalt  }
0x58: {  	_ =	shalt  }
0x59: {  	_ =	shalt  }
0x5a: {  	_ =	shalt  }
0x5b: {  	_ =	shalt  }
0x5c: {  	_ =	shalt  }
0x5d: {  	_ =	shalt  }
0x5e: {  	_ =	shalt  }
0x5f: {  	_ =	shalt  }
0x60: {  	_ =	shalt  }
0x61: {  	_ =	shalt  }
0x62: {  	_ =	shalt  }
0x63: {  	_ =	shalt  }
0x64: {  	_ =	shalt  }
0x65: {  	_ =	shalt  }
0x66: {  	_ =	shalt  }
0x67: {  	_ =	shalt  }
0x68: {  	_ =	shalt  }
0x69: {  	_ =	shalt  }
0x6a: {  	_ =	shalt  }
0x6b: {  	_ =	shalt  }
0x6c: {  	_ =	shalt  }
0x6d: {  	_ =	shalt  }
0x6e: {  	_ =	shalt  }
0x6f: {  	_ =	shalt  }
0x70: {  	_ =	shalt  }
0x71: {  	_ =	shalt  }
0x72: {  	_ =	shalt  }
0x73: {  	_ =	shalt  }
0x74: {  	_ =	shalt  }
0x75: {  	_ =	shalt  }
0x76: {  	_ =	shalt  }
0x77: {  	_ =	shalt  }
0x78: {  	_ =	shalt  }
0x79: {  	_ =	shalt  }
0x7a: {  	_ =	shalt  }
0x7b: {  	_ =	shalt  }
0x7c: {  	_ =	shalt  }
0x7d: {  	_ =	shalt  }
0x7e: {  	_ =	shalt  }
0x7f: {  	_ =	shalt  }
0x80: {  	_ =	shalt  }
0x81: {  	_ =	shalt  }
0x82: {  	_ =	shalt  }
0x83: {  	_ =	shalt  }
0x84: {  	_ =	shalt  }
0x85: {  	_ =	shalt  }
0x86: {  	_ =	shalt  }
0x87: {  	_ =	shalt  }
.Lfunc_end0:
.L_simem_size_0:
called_computation_lowered:
.L_overlay_start_0:
0x88: {  	s2 =	sld [smem:$0x3FD9]  }
0x89: {  	s3 =	sld [smem:$0x3FFE];
	_ =	sdelay $0x1  }
0x8a: {  	s1 =	srdreg.scid  }
0x8b: {  	s0 =	sand.u32 $0x1, s1  }
0x8c: {  	s17 =	sshll.u32 s0, $0xA;
	s2 =	sadd.s32 s3, s2  }
0x8d: {  	s2 =	sadd.s32 s2, s17  }
0x8e: {  	[smem:$0x3FC6] =	sst s2  }
0x8f: {  	_ = 	snop  }
0x90: {  	s2 =	sld [smem:$0x3FC9]  }
0x91: {  	s18 =	sld [smem:$0x3FD0];
	(tm) =	ssettm $0x1  }
0x92: {  	s4 =	sld [smem:$0x3FFB];
	_ =	sdelay $0x3  }
0x93: {  	_ =	strace s4  }
0x94: {  	s4 =	sld [smem:$0x3FFC];
	_ =	sdelay $0x3  }
0x95: {  	_ =	strace s4  }
0x96: {  	s4 =	sld [smem:$0x3FFD];
	_ =	sdelay $0x3  }
0x97: {  	_ =	strace s4  }
0x98: {  	_ =	strace $0x8FFFFFFF  }
0x99: {  	s19 =	sld [smem:$0x3FDB];
	_ =	sdelay $0x1  }
0x9a: {  	s5 =	simm.s32 $_scs_section_size  }
0x9b: {  	s6 =	simm.s32 $_size__tile_overlayer_lowered;
	s7 =	simm.s32 $_tile_overlayer_lowered  }
0x9c: {  	s22 =	simm.s32 $0x1BFF;
	s21 =	sshll.u32 s7, $0x1;
	s4 =	sadd.s32 s5, s19  }
0x9d: {  	s8 =	simm.s32 $0x0;
	s20 =	sshll.u32 s6, $0x1;
	s6 =	sadd.s32 s21, s4  }
0x9e: {  	[timem:s8], [sflag:s22] =	dma.local [hbm:s6], s20  }
0x9f: {  	_ =	swait.ge [sflag:s22], s20  }
0xa0: {  	s5 =	ssub.s32 $0x0, s20;
	[sflag:s22] =	ssyncset.done $0x0  }
0xa1: {  	[sflag:s22] =	ssyncadd.s32 s5;
	_ =	sdelay $0x1  }
0xa2: {  	s23 =	simm.s32 $0x1B8B  }
0xa3: {  	_ =	swait.ge [sflag:s23], $0x1  }
0xa4: {  	[sflag:s23] =	ssyncset.done $0x0  }
0xa5: {  	s25 =	simm.s32 $0x1B8E;
	s24 =	sld [smem:$0x3FFE];
	[sflag:s23] =	ssyncadd.s32 $0xFFFFFFFF  }
0xa6: {  	s26 =	simm.s32 $execute0_lowered;
	[smem:$0x3FD2] =	sst s25  }
0xa7: {  	s6 =	sshll.u32 s26, $0x1;
	_ =	strace $0x80000046;
	[dreg:$0x1] =	wrdreg $0xFFFFFFFF  }
0xa8: {  	s28 =	simm.s32 $_size_execute0_lowered;
	s4 =	sadd.s32 s4, s6;
	[dreg:$0x0] =	wrdreg $0x0  }
0xa9: {  	s6 =	sshll.u32 s28, $0x1;
	[dreg:$0x2] =	wrdreg s4  }
0xaa: {  	[dreg:$0x3] =	wrdreg s6  }
0xab: {  	[dreg:$0x4] =	wrdreg $0xC0  }
0xac: {  	_ =	task [dreg:s8], $0x5FFFF  }
0xad: {  	[dreg:$0x1] =	wrdreg $0xFFFFFFFF  }
0xae: {  	[dreg:$0x0] =	wrdreg $0x60  }
0xaf: {  	[dreg:$0x2] =	wrdreg s2  }
0xb0: {  	[dreg:$0x3] =	wrdreg s24  }
0xb1: {  	[dreg:$0x4] =	wrdreg s18  }
0xb2: {  	[dreg:$0x5] =	wrdreg $0x0  }
0xb3: {  	[dreg:$0x6] =	wrdreg $0x140000  }
0xb4: {  	[dreg:$0x7] =	wrdreg $0x142800  }
0xb5: {  	[dreg:$0x8] =	wrdreg $0x9  }
0xb6: {  	_ =	task.clear_ibuf [dreg:s8], $0x9FFFF;
	_ =	strace $0x90000046  }
0xb7: {  	s29 =	simm.s32 $0x9;
	_ =	strace $0x80000048  }
0xb8: {  	_ =	swait.ge [sflag:s29], $0x1  }
0xb9: {  	[sflag:s29] =	ssyncadd.s32 $0xFFFFFFFF  }
0xba: {  	_ =	strace $0x90000048  }
0xbb: {  	_ =	sfence  }
0xbc: {  	s30 =	sld [smem:$0x0];
	_ =	sdelay $0x2  }
0xbd: {  	s31 =	sshll.u32 s1, $0xD;
	s1 =	sshrl.u32 s1, $0x2  }
0xbe: {  	s3 =	sand.u32 $0x4000, s31;
	s1 =	sadd.s32 s1, s30  }
0xbf: {  	s0 =	sor.u32 s3, s0;
	s1 =	sshll.u32 s1, $0x11  }
0xc0: {  	s0 =	sor.u32 s1, s0  }
0xc1: {  	s0 =	sadd.s32 $0x8F2B, s0  }
0xc2: {  	[sflag:s0] =	ssyncadd.remote.s32 $0x1  }
0xc3: {  	_ =	sfence.sel $0xFFFF  }
0xc4: {  	[dreg:$0x0] =	wrdreg $0xFFFFFFFF;
	(pc) =	sbr.abs _section_cstart, $3  }
0xc5: {  	[dreg:$0x1] =	wrdreg $0xFFFFFFFF  }
0xc6: {  	_ =	task.clear_ibuf [dreg:s8], $0x2FFFF;
	_ =	strace $0x9FFFFFFF  }
0xc7: {  	(tm) =	ssettm $0x7FFFFFFF  }
tec
execute0_lowered:
.L_overlay_start_1:
0x0: {  	(tag) =	ssettag $0x1  }
0x1: {  	s0 =	rddreg [dreg:$0x0]  }
0x2: {  	s1 =	rddreg [dreg:$0x1]  }
0x3: {  	s2 =	rddreg [dreg:$0x2]  }
0x4: {  	s3 =	rddreg [dreg:$0x3]  }
0x5: {  	s4 =	rddreg [dreg:$0x4]  }
0x6: {  	s5 =	rddreg [dreg:$0x5];
	s6 =	srdreg.scid  }
0x7: {  	s7 =	simm.s32 $0x0;
	s16 =	stileid.u32;
	s28 =	simm.s32 $0x1D280  }
0x8: {  	s29 =	simm.s32 $0x1;
	s30 =	simm.s32 $0x2;
	s31 =	simm.s32 $0x15780  }
0x9: {  	s6 =	sand.u32 $0x1, s6;
	[smem:$0x7FF] =	sst s7;
	s10 =	smul.u32 $0x14000, s16  }
0xa: {  	s8 =	sadd.s32 $0xE00, s1;
	s11 =	sadd.s32 $0x600, s1;
	s12 =	smul.u32 $0x50000, s16  }
0xb: {  	s14 =	smul.u32 $0x4E20, s16;
	s22 =	sshll.u32 s16, $0x1;
	p0 =	sgt.u32 s16, $0x9  }
0xc: {  	s9 =	smul.u32 $0x140000, s6;
	_ =	strace $0x80000047;
	s13 =	ssub.s32 $0x2, s6  }
0xd: {  	s20 =	smul.u32 $0x2800, s6;
	[dreg:$0xb] =	wrdreg s11;
	s21 =	sshrl.u32 s13, $0x1  }
0xe: {  	s12 =	sshrl.u32 s12, $0x2;
	s13 =	ssub.s32 s13, s21;
	s21 =	simm.s32 $0x1AA00  }
0xf: {  	s11 =	sshll.u32 s16, $0xA;
	s25 =	sadd.s32 s12, s3;
	[dreg:$0x9] =	wrdreg s21  }
0x10: {  	s15 =	smul.u32 $0x2710, s6;
	s23 =	sadd.s32 $0x1000, s25;
	[dreg:$0xc] =	wrdreg s25  }
0x11: {  	s6 =	sor.u32 s6, s22;
	s24 =	sadd.s32 $0x2000, s25;
	[dreg:$0xd] =	wrdreg s23  }
0x12: {  	p1 =	sne.s32 @p0 s16, $0xF;
	s26 =	sadd.s32 $0x3000, s25;
	[dreg:$0xe] =	wrdreg s24  }
0x13: {  	s12 =	sadd.s32 s15, s14;
	s15 =	sadd.s32 $0x4000, s25;
	[dreg:$0xf] =	wrdreg s26  }
0x14: {  	s6 =	smul.u32 $0x2710, s6;
	s17 =	sadd.s32 $0x5000, s25;
	[dreg:$0x10] =	wrdreg s15  }
0x15: {  	s9 =	sadd.s32 s10, s9;
	s18 =	sadd.s32 $0x6000, s25;
	[dreg:$0x11] =	wrdreg s17  }
0x16: {  	s10 =	sadd.s32 s11, s20;
	s20 =	sadd.s32 $0x7000, s25;
	[dreg:$0x12] =	wrdreg s18  }
0x17: {  	p1 =	por p1, !p0;
	s22 =	sadd.s32 $0x8000, s25;
	[dreg:$0x13] =	wrdreg s20  }
0x18: {  	s9 =	sshrl.u32 s9, $0x3;
	s13 =	smax.u32 s13, $0x1;
	[dreg:$0x14] =	wrdreg s22  }
0x19: {  	s10 =	sshrl.u32 s10, $0x3;
	s16 =	sadd.s32 $0xA000, s25;
	[dreg:$0x1a] =	wrdreg s13  }
0x1a: {  	s14 =	sadd.s32 $0x50, s12;
	s21 =	sadd.s32 $0xF000, s25;
	[dreg:$0x1d] =	wrdreg s16  }
0x1b: {  	s6 =	sshrl.u32 s6, $0x3;
	s24 =	sadd.s32 s11, s4;
	[smem:$0x7F9] =	sst s21  }
0x1c: {  	s9 =	sadd.s32 s9, s1;
	s23 =	simm.s32 $0x1A980;
	[dreg:$0x15] =	wrdreg s24  }
0x1d: {  	s1 =	sadd.s32 s10, s1;
	s26 =	sadd.s32 s8, s6;
	[dreg:$0xa] =	wrdreg s23  }
0x1e: {  	s14 =	sshrl.u32 s14, $0x3;
	s6 =	sadd.s32 s2, s6;
	[dreg:$0x16] =	wrdreg s26  }
0x1f: {  	s15 =	sadd.s32 $0x9000, s25;
	s17 =	sadd.s32 $0xB000, s25;
	[dreg:$0x17] =	wrdreg s6  }
0x20: {  	s18 =	sadd.s32 $0xC000, s25;
	s20 =	sadd.s32 $0xE000, s25;
	[dreg:$0x1c] =	wrdreg s15  }
0x21: {  	s22 =	sadd.s32 $0x10000, s25;
	s16 =	simm.s32 $0x15680;
	[dreg:$0x1e] =	wrdreg s17  }
0x22: {  	s21 =	simm.s32 $0x15800;
	s13 =	simm.s32 $0x0;
	[dreg:$0x1f] =	wrdreg s18  }
0x23: {  	s19 =	sadd.s32 s14, s2;
	s14 =	sadd.s32 s14, s8;
	[smem:$0x7F8] =	sst s20  }
0x24: {  	s11 =	sadd.s32 $0xAC00, s9;
	s1 =	sadd.s32 $0x5AC00, s1;
	[smem:$0x7FA] =	sst s22  }
0x25: {  	s23 =	sadd.s32 $0x11000, s25;
	s24 =	sadd.s32 $0x12000, s25;
	[dreg:$0x7] =	wrdreg s19  }
0x26: {  	s26 =	sadd.s32 $0x13000, s25;
	s15 =	simm.s32 $0x9;
	[dreg:$0x8] =	wrdreg s14  }
0x27: {  	s17 =	simm.s32 $0x15700;
	s18 =	simm.s32 $0x50;
	[dreg:$0x18] =	wrdreg s11  }
0x28: {  	s20 =	simm.s32 $0x15880;
	s22 =	simm.s32 $0x18080;
	[dreg:$0x19] =	wrdreg s1  }
0x29: {  	s6 =	simm.s32 $0x4;
	s9 =	simm.s32 $0x5;
	[smem:$0x7FB] =	sst s23  }
0x2a: {  	s14 =	sadd.s32 $0xA0, s12;
	s19 =	sadd.s32 $0xD000, s25;
	[smem:$0x7FC] =	sst s24  }
0x2b: {  	[smem:$0x7FD] =	sst s26;
	s23 =	simm.s32 $0x1A880;
	s24 =	simm.s32 $0x1A900  }
0x2c: {  	s26 =	simm.s32 $0x1AA80;
	s1 =	simm.s32 $0x3;
	[dreg:$0x1b] =	wrdreg s14  }
0x2d: {  	v0 =	vimm.f32 $0.0e+00;
	s11 =	simm.s32 $0x6;
	[smem:$0x7F7] =	sst s19;
	s14 =	simm.s32 $0x14680  }
.LBB2_1:
0x2e: {  	[smem:$0x7F6] =	sst s13;
	s13 =	simm.s32 $0x0;
	s19 =	simm.s32 $0x200  }
.LBB2_2:
0x2f: {  	p2 =	sne.s32 s19, $0x3E00;
	[tilespmem:s13+$0x146F0] =	vst v0  }
0x30: {  	[tilespmem:s13+$0x14680] =	vst v0  }
0x31: {  	[tilespmem:s13+$0x14690] =	vst v0  }
.Ltmp0:
0x32: {  	[tilespmem:s13+$0x146A0] =	vst v0;
	(pc) =	sbr.rel @p2 .LBB2_2-.Ltmp0, $4  }
0x33: {  	[tilespmem:s13+$0x146B0] =	vst v0  }
0x34: {  	[tilespmem:s13+$0x146C0] =	vst v0  }
0x35: {  	[tilespmem:s13+$0x146D0] =	vst v0  }
0x36: {  	[tilespmem:s13+$0x146E0] =	vst v0;
	s13 =	sshra.s32 s19, $0x2;
	s19 =	sadd.s32 $0x200, s19  }
0x37: {  	[tilespmem:s13+$0x146F0] =	vst v0  }
0x38: {  	[tilespmem:s13+$0x14680] =	vst v0  }
0x39: {  	[tilespmem:s13+$0x14690] =	vst v0  }
0x3a: {  	[tilespmem:s13+$0x146A0] =	vst v0  }
0x3b: {  	[tilespmem:s13+$0x146B0] =	vst v0  }
0x3c: {  	[tilespmem:s13+$0x146C0] =	vst v0  }
0x3d: {  	[tilespmem:s13+$0x146D0] =	vst v0  }
0x3e: {  	[tilespmem:s13+$0x146E0] =	vst v0  }
0x3f: {  	[spmem:s25] =	stream.linear.scatter [tilespmem:s14], [sflag:$0x9], $0x1000, $0x38;
	[tilespmem:$0x1FA80] =	vst v63  }
0x40: {  	_ =	swait.ge [sflag:s15], $0x1000  }
0x41: {  	[sflag:s15] =	ssyncset.done $0x0  }
0x42: {  	s10 =	rddreg [dreg:$0xd];
	[sflag:s15] =	ssyncadd.s32 $0xFFFFF000  }
0x43: {  	[spmem:s10] =	stream.linear.scatter [tilespmem:s14], [sflag:$0x9], $0x1000, $0x38;
	[tilespmem:$0x1FA80] =	vst v63  }
0x44: {  	_ =	swait.ge [sflag:s15], $0x1000  }
0x45: {  	[sflag:s15] =	ssyncset.done $0x0  }
0x46: {  	s19 =	rddreg [dreg:$0xe];
	[sflag:s15] =	ssyncadd.s32 $0xFFFFF000  }
0x47: {  	[spmem:s19] =	stream.linear.scatter [tilespmem:s14], [sflag:$0x9], $0x1000, $0x38;
	[tilespmem:$0x1FA80] =	vst v63  }
0x48: {  	_ =	swait.ge [sflag:s15], $0x1000  }
0x49: {  	[sflag:s15] =	ssyncset.done $0x0  }
0x4a: {  	s25 =	rddreg [dreg:$0xf];
	[sflag:s15] =	ssyncadd.s32 $0xFFFFF000  }
0x4b: {  	[spmem:s25] =	stream.linear.scatter [tilespmem:s14], [sflag:$0x9], $0x1000, $0x38;
	[tilespmem:$0x1FA80] =	vst v63  }
0x4c: {  	_ =	swait.ge [sflag:s15], $0x1000  }
0x4d: {  	[sflag:s15] =	ssyncset.done $0x0  }
0x4e: {  	s12 =	rddreg [dreg:$0x10];
	[sflag:s15] =	ssyncadd.s32 $0xFFFFF000  }
0x4f: {  	[spmem:s12] =	stream.linear.scatter [tilespmem:s14], [sflag:$0x9], $0x1000, $0x38;
	[tilespmem:$0x1FA80] =	vst v63  }
0x50: {  	_ =	swait.ge [sflag:s15], $0x1000  }
0x51: {  	[sflag:s15] =	ssyncset.done $0x0  }
0x52: {  	s13 =	rddreg [dreg:$0x11];
	[sflag:s15] =	ssyncadd.s32 $0xFFFFF000  }
0x53: {  	[spmem:s13] =	stream.linear.scatter [tilespmem:s14], [sflag:$0x9], $0x1000, $0x38;
	[tilespmem:$0x1FA80] =	vst v63  }
0x54: {  	_ =	swait.ge [sflag:s15], $0x1000  }
0x55: {  	[sflag:s15] =	ssyncset.done $0x0  }
0x56: {  	s19 =	rddreg [dreg:$0x12];
	[sflag:s15] =	ssyncadd.s32 $0xFFFFF000  }
0x57: {  	[spmem:s19] =	stream.linear.scatter [tilespmem:s14], [sflag:$0x9], $0x1000, $0x38;
	[tilespmem:$0x1FA80] =	vst v63  }
0x58: {  	_ =	swait.ge [sflag:s15], $0x1000  }
0x59: {  	[sflag:s15] =	ssyncset.done $0x0  }
0x5a: {  	s25 =	rddreg [dreg:$0x13];
	[sflag:s15] =	ssyncadd.s32 $0xFFFFF000  }
0x5b: {  	[spmem:s25] =	stream.linear.scatter [tilespmem:s14], [sflag:$0x9], $0x1000, $0x38;
	[tilespmem:$0x1FA80] =	vst v63  }
0x5c: {  	_ =	swait.ge [sflag:s15], $0x1000  }
0x5d: {  	[sflag:s15] =	ssyncset.done $0x0  }
0x5e: {  	s12 =	rddreg [dreg:$0x14];
	[sflag:s15] =	ssyncadd.s32 $0xFFFFF000  }
0x5f: {  	[spmem:s12] =	stream.linear.scatter [tilespmem:s14], [sflag:$0x9], $0x1000, $0x38;
	[tilespmem:$0x1FA80] =	vst v63  }
0x60: {  	_ =	swait.ge [sflag:s15], $0x1000  }
0x61: {  	[sflag:s15] =	ssyncset.done $0x0  }
0x62: {  	s13 =	rddreg [dreg:$0x1c];
	[sflag:s15] =	ssyncadd.s32 $0xFFFFF000  }
0x63: {  	[spmem:s13] =	stream.linear.scatter [tilespmem:s14], [sflag:$0x9], $0x1000, $0x38;
	[tilespmem:$0x1FA80] =	vst v63  }
0x64: {  	_ =	swait.ge [sflag:s15], $0x1000  }
0x65: {  	[sflag:s15] =	ssyncset.done $0x0  }
0x66: {  	s19 =	rddreg [dreg:$0x1d];
	[sflag:s15] =	ssyncadd.s32 $0xFFFFF000  }
0x67: {  	[spmem:s19] =	stream.linear.scatter [tilespmem:s14], [sflag:$0x9], $0x1000, $0x38;
	[tilespmem:$0x1FA80] =	vst v63  }
0x68: {  	_ =	swait.ge [sflag:s15], $0x1000  }
0x69: {  	[sflag:s15] =	ssyncset.done $0x0  }
0x6a: {  	s25 =	rddreg [dreg:$0x1e];
	[sflag:s15] =	ssyncadd.s32 $0xFFFFF000  }
0x6b: {  	[spmem:s25] =	stream.linear.scatter [tilespmem:s14], [sflag:$0x9], $0x1000, $0x38;
	[tilespmem:$0x1FA80] =	vst v63  }
0x6c: {  	_ =	swait.ge [sflag:s15], $0x1000  }
0x6d: {  	[sflag:s15] =	ssyncset.done $0x0  }
0x6e: {  	s12 =	rddreg [dreg:$0x1f];
	[sflag:s15] =	ssyncadd.s32 $0xFFFFF000  }
0x6f: {  	[spmem:s12] =	stream.linear.scatter [tilespmem:s14], [sflag:$0x9], $0x1000, $0x38;
	[tilespmem:$0x1FA80] =	vst v63  }
0x70: {  	_ =	swait.ge [sflag:s15], $0x1000  }
0x71: {  	s13 =	sld [smem:$0x7F7]  }
0x72: {  	[sflag:s15] =	ssyncset.done $0x0  }
0x73: {  	[sflag:s15] =	ssyncadd.s32 $0xFFFFF000  }
0x74: {  	[spmem:s13] =	stream.linear.scatter [tilespmem:s14], [sflag:$0x9], $0x1000, $0x38;
	[tilespmem:$0x1FA80] =	vst v63  }
0x75: {  	_ =	swait.ge [sflag:s15], $0x1000  }
0x76: {  	s19 =	sld [smem:$0x7F8]  }
0x77: {  	[sflag:s15] =	ssyncset.done $0x0  }
0x78: {  	[sflag:s15] =	ssyncadd.s32 $0xFFFFF000  }
0x79: {  	[spmem:s19] =	stream.linear.scatter [tilespmem:s14], [sflag:$0x9], $0x1000, $0x38;
	[tilespmem:$0x1FA80] =	vst v63  }
0x7a: {  	_ =	swait.ge [sflag:s15], $0x1000  }
0x7b: {  	s25 =	sld [smem:$0x7F9]  }
0x7c: {  	[sflag:s15] =	ssyncset.done $0x0  }
0x7d: {  	[sflag:s15] =	ssyncadd.s32 $0xFFFFF000  }
0x7e: {  	[spmem:s25] =	stream.linear.scatter [tilespmem:s14], [sflag:$0x9], $0x1000, $0x38;
	[tilespmem:$0x1FA80] =	vst v63  }
0x7f: {  	_ =	swait.ge [sflag:s15], $0x1000  }
0x80: {  	s12 =	sld [smem:$0x7FA]  }
0x81: {  	[sflag:s15] =	ssyncset.done $0x0  }
0x82: {  	[sflag:s15] =	ssyncadd.s32 $0xFFFFF000  }
0x83: {  	[spmem:s12] =	stream.linear.scatter [tilespmem:s14], [sflag:$0x9], $0x1000, $0x38;
	[tilespmem:$0x1FA80] =	vst v63  }
0x84: {  	_ =	swait.ge [sflag:s15], $0x1000  }
0x85: {  	s13 =	sld [smem:$0x7FB]  }
0x86: {  	[sflag:s15] =	ssyncset.done $0x0  }
0x87: {  	[sflag:s15] =	ssyncadd.s32 $0xFFFFF000  }
0x88: {  	[spmem:s13] =	stream.linear.scatter [tilespmem:s14], [sflag:$0x9], $0x1000, $0x38;
	[tilespmem:$0x1FA80] =	vst v63  }
0x89: {  	_ =	swait.ge [sflag:s15], $0x1000  }
0x8a: {  	s19 =	sld [smem:$0x7FC]  }
0x8b: {  	[sflag:s15] =	ssyncset.done $0x0  }
0x8c: {  	[sflag:s15] =	ssyncadd.s32 $0xFFFFF000  }
0x8d: {  	[spmem:s19] =	stream.linear.scatter [tilespmem:s14], [sflag:$0x9], $0x1000, $0x38;
	[tilespmem:$0x1FA80] =	vst v63  }
0x8e: {  	_ =	swait.ge [sflag:s15], $0x1000  }
0x8f: {  	s25 =	sld [smem:$0x7FD]  }
0x90: {  	[sflag:s15] =	ssyncset.done $0x0  }
0x91: {  	[sflag:s15] =	ssyncadd.s32 $0xFFFFF000  }
0x92: {  	[spmem:s25] =	stream.linear.scatter [tilespmem:s14], [sflag:$0x9], $0x1000, $0x38;
	[tilespmem:$0x1FA80] =	vst v63  }
0x93: {  	_ =	swait.ge [sflag:s15], $0x1000  }
0x94: {  	s13 =	sshrl.u32 @!p1 s5, $0x3;
	[sflag:s15] =	ssyncset.done $0x0  }
0x95: {  	s19 =	simm.s32 @!p1 $0x1FC9;
	s10 =	rddreg [dreg:$0xb];
	[sflag:s15] =	ssyncadd.s32 $0xFFFFF000  }
0x96: {  	[spmem:s13], [sflag:s19] =	dma.local @!p1 [hbm:s10], $0x800  }
0x97: {  	s13 =	simm.s32 @!p1 $0x9  }
0x98: {  	_ =	swait.ge @!p1 [sflag:s13], $0x800  }
0x99: {  	[sflag:s13] =	ssyncset.done @!p1 $0x0  }
0x9a: {  	s10 =	rddreg [dreg:$0x15];
	[sflag:s13] =	ssyncadd.s32 @!p1 $0xFFFFF800;
	s13 =	simm.s32 @!p0 $0x14680  }
0x9b: {  	[spmem:s10] =	stream.linear.scatter @!p0 [tilespmem:s13], [sflag:$0x9], $0x400, $0x38;
	[tilespmem:$0x1FA80] =	vst v63  }
0x9c: {  	s13 =	simm.s32 @!p0 $0x9  }
0x9d: {  	_ =	swait.ge @!p0 [sflag:s13], $0x400  }
0x9e: {  	[sflag:s13] =	ssyncset.done @!p0 $0x0  }
0x9f: {  	[sflag:s13] =	ssyncadd.s32 @!p0 $0xFFFFFC00  }
0xa0: {  	[bflag:$0x0] =	sbarrier.arrive $0xFFFF  }
0xa1: {  	s12 =	simm.s32 $0x0;
	s19 =	rddreg [dreg:$0x16]  }
0xa2: {  	[tilespmem:s16], [sflag:$0x9] =	stream.linear.gather [hbm4b:s19+s12], $0x50, $0x38;
	[tilespmem:$0x1FA80] =	vst v63  }
0xa3: {  	_ =	swait.ge [sflag:s15], $0x50  }
0xa4: {  	[sflag:s15] =	ssyncset.done $0x0  }
0xa5: {  	s25 =	rddreg [dreg:$0x17];
	[sflag:s15] =	ssyncadd.s32 $0xFFFFFFB0  }
0xa6: {  	[tilespmem:s17], [sflag:$0x9] =	stream.linear.gather [hbm4b:s25+s12], $0x50, $0x38;
	[tilespmem:$0x1FA80] =	vst v63  }
0xa7: {  	_ =	swait.ge [sflag:s15], $0x50  }
0xa8: {  	[sflag:s15] =	ssyncset.done $0x0  }
0xa9: {  	[sflag:s15] =	ssyncadd.s32 $0xFFFFFFB0  }
0xaa: {  	v1 =	vld [tilespmem:$0x15700];
	_ =	sdelay $0x1  }
0xab: {  	v2 =	vld [tilespmem:$0x15710];
	_ =	sdelay $0x1  }
0xac: {  	v3 =	vld [tilespmem:$0x15720]  }
0xad: {  	v4 =	vshra.s32 v1, $0x7  }
0xae: {  	v1 =	vand.u32 $0x7F, v1;
	[tilespmem:$0x15780] =	vst v4;
	v4 =	vld [tilespmem:$0x15730]  }
0xaf: {  	[tilespmem:$0x15800] =	vst v1;
	v1 =	vshra.s32 v2, $0x7  }
0xb0: {  	[tilespmem:$0x15790] =	vst v1;
	v1 =	vand.u32 $0x7F, v2;
	v2 =	vld [tilespmem:$0x15740]  }
0xb1: {  	[tilespmem:$0x15810] =	vst v1;
	v1 =	vshra.s32 v3, $0x7  }
0xb2: {  	[tilespmem:$0x157A0] =	vst v1;
	v1 =	vand.u32 $0x7F, v3  }
0xb3: {  	[tilespmem:$0x15820] =	vst v1;
	v1 =	vshra.s32 v4, $0x7  }
0xb4: {  	[tilespmem:$0x157B0] =	vst v1;
	v1 =	vand.u32 $0x7F, v4  }
0xb5: {  	[tilespmem:$0x15830] =	vst v1;
	v1 =	vshra.s32 v2, $0x7  }
0xb6: {  	[tilespmem:$0x157C0] =	vst v1;
	v1 =	vand.u32 $0x7F, v2  }
0xb7: {  	p2 =	por $0x1, $0x1;
	[tilespmem:$0x15840] =	vst v1  }
0xb8: {  	[tilespmem:s20], [sflag:$0x1] =	stream.indirect.gather [hbm4b:s0+s18], $0x80, s16, s18, $0xb8;
	[tilespmem:$0x1FA80] =	vst v63  }
0xb9: {  	s13 =	simm.s32 @!p2 $0x7  }
0xba: {  	[tilespmem:s22], [sflag:$0x2] =	stream.indirect.gather [spmem:s5], $0x80, s21, s18, $0xb8;
	[tilespmem:$0x1FA80] =	vst v63  }
0xbb: {  	_ =	swait.ge @!p2 [sflag:s13], $0x2800  }
0xbc: {  	[sflag:s13] =	ssyncset.done @!p2 $0x0  }
0xbd: {  	[sflag:s13] =	ssyncadd.s32 @!p2 $0xFFFFD800;
	s13 =	simm.s32 @!p2 $0x8  }
0xbe: {  	_ =	swait.ge @!p2 [sflag:s13], $0x2800  }
0xbf: {  	s10 =	rddreg [dreg:$0x8];
	[sflag:s13] =	ssyncset.done @!p2 $0x0  }
0xc0: {  	[sflag:s13] =	ssyncadd.s32 @!p2 $0xFFFFD800;
	s12 =	sadd.s32 $0x0, s10  }
0xc1: {  	[tilespmem:s23], [sflag:$0x9] =	stream.linear.gather [hbm4b:s12+s7], $0x50, $0x38;
	[tilespmem:$0x1FA80] =	vst v63  }
0xc2: {  	_ =	swait.ge [sflag:s15], $0x50  }
0xc3: {  	s19 =	rddreg [dreg:$0x7];
	[sflag:s15] =	ssyncset.done $0x0  }
0xc4: {  	[sflag:s15] =	ssyncadd.s32 $0xFFFFFFB0;
	s13 =	sadd.s32 $0x0, s19  }
0xc5: {  	[tilespmem:s24], [sflag:$0x9] =	stream.linear.gather [hbm4b:s13+s7], $0x50, $0x38;
	[tilespmem:$0x1FA80] =	vst v63  }
0xc6: {  	_ =	swait.ge [sflag:s15], $0x50  }
0xc7: {  	[sflag:s15] =	ssyncset.done $0x0  }
0xc8: {  	[sflag:s15] =	ssyncadd.s32 $0xFFFFFFB0  }
0xc9: {  	v1 =	vld [tilespmem:$0x1A940];
	_ =	sdelay $0x1  }
0xca: {  	v3 =	vld [tilespmem:$0x1A900];
	_ =	sdelay $0x1  }
0xcb: {  	v2 =	vld [tilespmem:$0x1A930]  }
0xcc: {  	v5 =	vshra.s32 v1, $0x7  }
0xcd: {  	v4 =	vld [tilespmem:$0x1A920];
	v1 =	vand.u32 $0x7F, v1;
	[tilespmem:$0x1A9C0] =	vst v5  }
0xce: {  	v6 =	vshra.s32 v3, $0x7;
	[tilespmem:$0x1AA40] =	vst v1  }
0xcf: {  	v3 =	vand.u32 $0x7F, v3;
	v1 =	vld [tilespmem:$0x1A910];
	[tilespmem:$0x1A980] =	vst v6  }
0xd0: {  	v5 =	vshra.s32 v2, $0x7;
	[tilespmem:$0x1AA00] =	vst v3  }
0xd1: {  	v2 =	vand.u32 $0x7F, v2;
	[tilespmem:$0x1A9B0] =	vst v5  }
0xd2: {  	v3 =	vshra.s32 v4, $0x7;
	[tilespmem:$0x1AA30] =	vst v2  }
0xd3: {  	v5 =	vand.u32 $0x7F, v4;
	[tilespmem:$0x1A9A0] =	vst v3  }
0xd4: {  	[tilespmem:$0x1AA20] =	vst v5;
	v2 =	vand.u32 $0x7F, v1  }
0xd5: {  	v1 =	vshra.s32 v1, $0x7;
	[tilespmem:$0x1AA10] =	vst v2  }
0xd6: {  	[tilespmem:$0x1A990] =	vst v1  }
0xd7: {  	[tilespmem:s26], [sflag:$0x5] =	stream.indirect.gather [hbm4b:s0+s18], $0x80, s23, s18, $0xb8;
	[tilespmem:$0x1FA80] =	vst v63  }
0xd8: {  	s25 =	rddreg [dreg:$0x9]  }
0xd9: {  	[tilespmem:s28], [sflag:$0x6] =	stream.indirect.gather [spmem:s5], $0x80, s25, s18, $0xb8;
	[tilespmem:$0x1FA80] =	vst v63  }
0xda: {  	_ =	swait.ge [sflag:s29], $0x2800  }
0xdb: {  	[sflag:s29] =	ssyncset.done $0x0  }
0xdc: {  	[sflag:s29] =	ssyncadd.s32 $0xFFFFD800  }
0xdd: {  	[spmem:s3] =	stream.indirect.scatter.add.f32 [tilespmem:s20], [sflag:$0x3], $0x80, s17, s18, $0xb8;
	[tilespmem:$0x1FA80] =	vst v63  }
0xde: {  	_ =	swait.ge [sflag:s30], $0x2800  }
0xdf: {  	[sflag:s30] =	ssyncset.done $0x0  }
0xe0: {  	[sflag:s30] =	ssyncadd.s32 $0xFFFFD800  }
0xe1: {  	[spmem:s4] =	stream.indirect.scatter.add.f32 [tilespmem:s22], [sflag:$0x4], $0x80, s31, s18, $0xb8;
	[tilespmem:$0x1FA80] =	vst v63  }
0xe2: {  	_ =	swait.ge [sflag:s1], $0x2800  }
0xe3: {  	[sflag:s1] =	ssyncset.done $0x0  }
0xe4: {  	[sflag:s1] =	ssyncadd.s32 $0xFFFFD800  }
0xe5: {  	_ =	swait.ge [sflag:s6], $0x2800  }
0xe6: {  	s25 =	rddreg [dreg:$0x1b]  }
0xe7: {  	[sflag:s6] =	ssyncset.done $0x0;
	s10 =	sshrl.u32 s25, $0x3  }
0xe8: {  	[sflag:s6] =	ssyncadd.s32 $0xFFFFD800;
	s12 =	sadd.s32 s8, s10  }
0xe9: {  	[tilespmem:s16], [sflag:$0x9] =	stream.linear.gather [hbm4b:s12+s7], $0x50, $0x38;
	[tilespmem:$0x1FA80] =	vst v63  }
0xea: {  	_ =	swait.ge [sflag:s15], $0x50  }
0xeb: {  	[sflag:s15] =	ssyncset.done $0x0  }
0xec: {  	s13 =	sadd.s32 s2, s10;
	[sflag:s15] =	ssyncadd.s32 $0xFFFFFFB0  }
0xed: {  	[tilespmem:s17], [sflag:$0x9] =	stream.linear.gather [hbm4b:s13+s7], $0x50, $0x38;
	[tilespmem:$0x1FA80] =	vst v63  }
0xee: {  	_ =	swait.ge [sflag:s15], $0x50  }
0xef: {  	[sflag:s15] =	ssyncset.done $0x0  }
0xf0: {  	[sflag:s15] =	ssyncadd.s32 $0xFFFFFFB0  }
0xf1: {  	v1 =	vld [tilespmem:$0x15740]  }
0xf2: {  	v2 =	vld [tilespmem:$0x15710]  }
0xf3: {  	v5 =	vld [tilespmem:$0x15720]  }
0xf4: {  	v7 =	vld [tilespmem:$0x15730];
	_ =	sdelay $0x1  }
0xf5: {  	v3 =	vshra.s32 v1, $0x7  }
0xf6: {  	v6 =	vshra.s32 v2, $0x7;
	[tilespmem:$0x157C0] =	vst v3  }
0xf7: {  	v4 =	vand.u32 $0x7F, v1;
	v1 =	vand.u32 $0x7F, v2;
	v2 =	vshra.s32 v5, $0x7;
	[tilespmem:$0x15790] =	vst v6  }
0xf8: {  	s13 =	simm.s32 $0x14;
	v3 =	vld [tilespmem:$0x15700];
	v6 =	vand.u32 $0x7F, v5;
	[tilespmem:$0x157A0] =	vst v2;
	v2 =	vshra.s32 v7, $0x7;
	v5 =	vand.u32 $0x7F, v7  }
.LBB2_4:
0xf9: {  	[tilespmem:$0x15840] =	vst v4  }
0xfa: {  	[tilespmem:$0x15820] =	vst v6  }
0xfb: {  	[tilespmem:$0x15810] =	vst v1  }
0xfc: {  	[tilespmem:$0x15830] =	vst v5  }
0xfd: {  	[tilespmem:$0x157B0] =	vst v2;
	v1 =	vshra.s32 v3, $0x7;
	v3 =	vand.u32 $0x7F, v3  }
0xfe: {  	[tilespmem:$0x15800] =	vst v3  }
0xff: {  	[tilespmem:$0x15780] =	vst v1  }
0x100: {  	[tilespmem:s20], [sflag:$0x1] =	stream.indirect.gather [hbm4b:s0+s18], $0x80, s16, s18, $0xb8;
	[tilespmem:$0x1FA80] =	vst v63  }
0x101: {  	_ = 	snop  }
0x102: {  	[tilespmem:s22], [sflag:$0x2] =	stream.indirect.gather [spmem:s5], $0x80, s21, s18, $0xb8;
	[tilespmem:$0x1FA80] =	vst v63  }
0x103: {  	_ =	swait.ge [sflag:s9], $0x2800  }
0x104: {  	[sflag:s9] =	ssyncset.done $0x0  }
0x105: {  	[sflag:s9] =	ssyncadd.s32 $0xFFFFD800  }
0x106: {  	[spmem:s3] =	stream.indirect.scatter.add.f32 [tilespmem:s26], [sflag:$0x7], $0x80, s24, s18, $0xb8;
	[tilespmem:$0x1FA80] =	vst v63  }
0x107: {  	_ =	swait.ge [sflag:s11], $0x2800  }
0x108: {  	s19 =	smov.u32 s13;
	[sflag:s11] =	ssyncset.done $0x0  }
0x109: {  	p3 =	seq.s32 s19, $0x0;
	s10 =	rddreg [dreg:$0xa];
	[sflag:s11] =	ssyncadd.s32 $0xFFFFD800  }
0x10a: {  	[spmem:s4] =	stream.indirect.scatter.add.f32 [tilespmem:s28], [sflag:$0x8], $0x80, s10, s18, $0xb8;
	[tilespmem:$0x1FA80] =	vst v63  }
0x10b: {  	s10 =	simm.s32 @!p3 $0x7  }
0x10c: {  	_ =	swait.ge @!p3 [sflag:s10], $0x2800  }
0x10d: {  	[sflag:s10] =	ssyncset.done @!p3 $0x0  }
0x10e: {  	[sflag:s10] =	ssyncadd.s32 @!p3 $0xFFFFD800;
	s10 =	simm.s32 @!p3 $0x8  }
0x10f: {  	_ =	swait.ge @!p3 [sflag:s10], $0x2800  }
0x110: {  	[sflag:s10] =	ssyncset.done @!p3 $0x0;
	s12 =	rddreg [dreg:$0x8]  }
0x111: {  	[sflag:s10] =	ssyncadd.s32 @!p3 $0xFFFFD800;
	s12 =	sadd.s32 s19, s12  }
0x112: {  	[tilespmem:s23], [sflag:$0x9] =	stream.linear.gather [hbm4b:s12+s7], $0x50, $0x38;
	[tilespmem:$0x1FA80] =	vst v63  }
0x113: {  	_ =	swait.ge [sflag:s15], $0x50  }
0x114: {  	s12 =	rddreg [dreg:$0x7];
	[sflag:s15] =	ssyncset.done $0x0  }
0x115: {  	[sflag:s15] =	ssyncadd.s32 $0xFFFFFFB0;
	s10 =	sadd.s32 s19, s12  }
0x116: {  	[tilespmem:s24], [sflag:$0x9] =	stream.linear.gather [hbm4b:s10+s7], $0x50, $0x38;
	[tilespmem:$0x1FA80] =	vst v63  }
0x117: {  	_ =	swait.ge [sflag:s15], $0x50  }
0x118: {  	[sflag:s15] =	ssyncset.done $0x0  }
0x119: {  	[sflag:s15] =	ssyncadd.s32 $0xFFFFFFB0  }
0x11a: {  	v1 =	vld [tilespmem:$0x1A940];
	_ =	sdelay $0x1  }
0x11b: {  	v2 =	vld [tilespmem:$0x1A930];
	_ =	sdelay $0x1  }
0x11c: {  	v3 =	vld [tilespmem:$0x1A900]  }
0x11d: {  	v4 =	vld [tilespmem:$0x1A920];
	v6 =	vshra.s32 v1, $0x7  }
0x11e: {  	v1 =	vand.u32 $0x7F, v1;
	[tilespmem:$0x1A9C0] =	vst v6  }
0x11f: {  	v7 =	vshra.s32 v2, $0x7;
	[tilespmem:$0x1AA40] =	vst v1  }
0x120: {  	v5 =	vld [tilespmem:$0x1A910];
	v2 =	vand.u32 $0x7F, v2;
	[tilespmem:$0x1A9B0] =	vst v7  }
0x121: {  	v6 =	vshra.s32 v3, $0x7;
	[tilespmem:$0x1AA30] =	vst v2  }
0x122: {  	v1 =	vshra.s32 v4, $0x7;
	v4 =	vand.u32 $0x7F, v4;
	[tilespmem:$0x1A980] =	vst v6  }
0x123: {  	v3 =	vand.u32 $0x7F, v3;
	[tilespmem:$0x1AA20] =	vst v4  }
0x124: {  	[tilespmem:$0x1AA00] =	vst v3  }
0x125: {  	v6 =	vshra.s32 v5, $0x7;
	v5 =	vand.u32 $0x7F, v5;
	[tilespmem:$0x1A9A0] =	vst v1  }
0x126: {  	[tilespmem:$0x1AA10] =	vst v5  }
0x127: {  	[tilespmem:$0x1A990] =	vst v6  }
0x128: {  	[tilespmem:s26], [sflag:$0x5] =	stream.indirect.gather [hbm4b:s0+s18], $0x80, s23, s18, $0xb8;
	[tilespmem:$0x1FA80] =	vst v63  }
0x129: {  	s12 =	rddreg [dreg:$0x9]  }
0x12a: {  	[tilespmem:s28], [sflag:$0x6] =	stream.indirect.gather [spmem:s5], $0x80, s12, s18, $0xb8;
	[tilespmem:$0x1FA80] =	vst v63  }
0x12b: {  	_ =	swait.ge [sflag:s29], $0x2800  }
0x12c: {  	[sflag:s29] =	ssyncset.done $0x0  }
0x12d: {  	[sflag:s29] =	ssyncadd.s32 $0xFFFFD800  }
0x12e: {  	[spmem:s3] =	stream.indirect.scatter.add.f32 [tilespmem:s20], [sflag:$0x3], $0x80, s17, s18, $0xb8;
	[tilespmem:$0x1FA80] =	vst v63  }
0x12f: {  	_ =	swait.ge [sflag:s30], $0x2800  }
0x130: {  	[sflag:s30] =	ssyncset.done $0x0  }
0x131: {  	[sflag:s30] =	ssyncadd.s32 $0xFFFFD800  }
0x132: {  	[spmem:s4] =	stream.indirect.scatter.add.f32 [tilespmem:s22], [sflag:$0x4], $0x80, s31, s18, $0xb8;
	[tilespmem:$0x1FA80] =	vst v63  }
0x133: {  	_ =	swait.ge [sflag:s1], $0x2800  }
0x134: {  	[sflag:s1] =	ssyncset.done $0x0  }
0x135: {  	[sflag:s1] =	ssyncadd.s32 $0xFFFFD800  }
0x136: {  	s25 =	sadd.s32 $0xA0, s25;
	_ =	swait.ge [sflag:s6], $0x2800  }
0x137: {  	s10 =	sshrl.u32 s25, $0x3;
	[sflag:s6] =	ssyncset.done $0x0  }
0x138: {  	s19 =	sadd.s32 s8, s10;
	[sflag:s6] =	ssyncadd.s32 $0xFFFFD800  }
0x139: {  	[tilespmem:s16], [sflag:$0x9] =	stream.linear.gather [hbm4b:s19+s7], $0x50, $0x38;
	[tilespmem:$0x1FA80] =	vst v63  }
0x13a: {  	_ =	swait.ge [sflag:s15], $0x50  }
0x13b: {  	[sflag:s15] =	ssyncset.done $0x0  }
0x13c: {  	s10 =	sadd.s32 s2, s10;
	[sflag:s15] =	ssyncadd.s32 $0xFFFFFFB0  }
0x13d: {  	[tilespmem:s17], [sflag:$0x9] =	stream.linear.gather [hbm4b:s10+s7], $0x50, $0x38;
	[tilespmem:$0x1FA80] =	vst v63  }
0x13e: {  	_ =	swait.ge [sflag:s15], $0x50  }
0x13f: {  	[sflag:s15] =	ssyncset.done $0x0  }
0x140: {  	[sflag:s15] =	ssyncadd.s32 $0xFFFFFFB0  }
0x141: {  	v1 =	vld [tilespmem:$0x15740]  }
0x142: {  	v2 =	vld [tilespmem:$0x15710]  }
0x143: {  	s13 =	sadd.s32 $0x14, s13;
	v5 =	vld [tilespmem:$0x15720]  }
0x144: {  	p2 =	sne.s32 s13, $0x4D8;
	v7 =	vld [tilespmem:$0x15730]  }
.Ltmp1:
0x145: {  	_ = 	snop;
	(pc) =	sbr.rel @p2 .LBB2_4-.Ltmp1, $4  }
0x146: {  	v3 =	vshra.s32 v1, $0x7  }
0x147: {  	v6 =	vshra.s32 v2, $0x7;
	[tilespmem:$0x157C0] =	vst v3  }
0x148: {  	v4 =	vand.u32 $0x7F, v1;
	v1 =	vand.u32 $0x7F, v2;
	v2 =	vshra.s32 v5, $0x7;
	[tilespmem:$0x15790] =	vst v6  }
0x149: {  	v3 =	vld [tilespmem:$0x15700];
	v6 =	vand.u32 $0x7F, v5;
	[tilespmem:$0x157A0] =	vst v2;
	v2 =	vshra.s32 v7, $0x7;
	v5 =	vand.u32 $0x7F, v7  }
0x14a: {  	[tilespmem:$0x15840] =	vst v4  }
0x14b: {  	[tilespmem:$0x15820] =	vst v6  }
0x14c: {  	[tilespmem:$0x15810] =	vst v1  }
0x14d: {  	[tilespmem:$0x15830] =	vst v5  }
0x14e: {  	[tilespmem:$0x157B0] =	vst v2;
	v1 =	vand.u32 $0x7F, v3  }
0x14f: {  	v3 =	vshra.s32 v3, $0x7;
	[tilespmem:$0x15800] =	vst v1  }
0x150: {  	[tilespmem:$0x15780] =	vst v3  }
0x151: {  	[tilespmem:s20], [sflag:$0x1] =	stream.indirect.gather [hbm4b:s0+s18], $0x80, s16, s18, $0xb8;
	[tilespmem:$0x1FA80] =	vst v63  }
0x152: {  	_ = 	snop  }
0x153: {  	[tilespmem:s22], [sflag:$0x2] =	stream.indirect.gather [spmem:s5], $0x80, s21, s18, $0xb8;
	[tilespmem:$0x1FA80] =	vst v63  }
0x154: {  	_ =	swait.ge [sflag:s9], $0x2800  }
0x155: {  	[sflag:s9] =	ssyncset.done $0x0  }
0x156: {  	[sflag:s9] =	ssyncadd.s32 $0xFFFFD800  }
0x157: {  	[spmem:s3] =	stream.indirect.scatter.add.f32 [tilespmem:s26], [sflag:$0x7], $0x80, s24, s18, $0xb8;
	[tilespmem:$0x1FA80] =	vst v63  }
0x158: {  	_ =	swait.ge [sflag:s11], $0x2800  }
0x159: {  	[sflag:s11] =	ssyncset.done $0x0  }
0x15a: {  	s10 =	rddreg [dreg:$0xa];
	[sflag:s11] =	ssyncadd.s32 $0xFFFFD800  }
0x15b: {  	[spmem:s4] =	stream.indirect.scatter.add.f32 [tilespmem:s28], [sflag:$0x8], $0x80, s10, s18, $0xb8;
	[tilespmem:$0x1FA80] =	vst v63  }
0x15c: {  	_ =	swait.ge [sflag:s29], $0x2800  }
0x15d: {  	[sflag:s29] =	ssyncset.done $0x0  }
0x15e: {  	[sflag:s29] =	ssyncadd.s32 $0xFFFFD800  }
0x15f: {  	[spmem:s3] =	stream.indirect.scatter.add.f32 [tilespmem:s20], [sflag:$0x3], $0x80, s17, s18, $0xb8;
	[tilespmem:$0x1FA80] =	vst v63  }
0x160: {  	_ =	swait.ge [sflag:s30], $0x2800  }
0x161: {  	[sflag:s30] =	ssyncset.done $0x0  }
0x162: {  	s13 =	simm.s32 $0x7;
	[sflag:s30] =	ssyncadd.s32 $0xFFFFD800  }
0x163: {  	[spmem:s4] =	stream.indirect.scatter.add.f32 [tilespmem:s22], [sflag:$0x4], $0x80, s31, s18, $0xb8;
	[tilespmem:$0x1FA80] =	vst v63  }
0x164: {  	_ =	swait.ge [sflag:s13], $0x2800  }
0x165: {  	[sflag:s13] =	ssyncset.done $0x0  }
0x166: {  	s19 =	simm.s32 $0x8;
	[sflag:s13] =	ssyncadd.s32 $0xFFFFD800  }
0x167: {  	_ =	swait.ge [sflag:s19], $0x2800  }
0x168: {  	[sflag:s19] =	ssyncset.done $0x0  }
0x169: {  	[sflag:s19] =	ssyncadd.s32 $0xFFFFD800  }
0x16a: {  	_ =	swait.ge [sflag:s1], $0x2800  }
0x16b: {  	[sflag:s1] =	ssyncset.done $0x0  }
0x16c: {  	[sflag:s1] =	ssyncadd.s32 $0xFFFFD800  }
0x16d: {  	_ =	swait.ge [sflag:s6], $0x2800  }
0x16e: {  	[sflag:s6] =	ssyncset.done $0x0  }
0x16f: {  	[sflag:s6] =	ssyncadd.s32 $0xFFFFD800  }
0x170: {  	s25 =	stileid.u32;
	[bflag:$0x0] =	sbarrier.arrive $0xFFFF  }
0x171: {  	s10 =	sshll.u32 s25, $0x6;
	s25 =	rddreg [dreg:$0xc]  }
0x172: {  	s10 =	sor.u32 $0x1C09, s10;
	s13 =	rddreg [dreg:$0x18];
	s12 =	sshrl.u32 s25, $0x3  }
0x173: {  	[hbm:s13], [sflag:s10] =	dma.local [spmem:s12], $0x2800  }
0x174: {  	_ =	swait.ge [sflag:s15], $0x2800  }
0x175: {  	[sflag:s15] =	ssyncset.done $0x0;
	s12 =	rddreg [dreg:$0x15]  }
0x176: {  	s13 =	rddreg [dreg:$0x19];
	[sflag:s15] =	ssyncadd.s32 $0xFFFFD800;
	s12 =	sshrl.u32 @!p0 s12, $0x3  }
0x177: {  	[hbm:s13], [sflag:s10] =	dma.local @!p0 [spmem:s12], $0x80  }
0x178: {  	s10 =	simm.s32 @!p0 $0x9  }
0x179: {  	_ =	swait.ge @!p0 [sflag:s10], $0x80  }
0x17a: {  	s12 =	sld [smem:$0x7F6];
	_ =	sdelay $0x2  }
0x17b: {  	s19 =	rddreg [dreg:$0x1a];
	s13 =	sadd.s32 $0x1, s12  }
0x17c: {  	p2 =	sne.s32 s13, s19  }
.Ltmp2:
0x17d: {  	_ = 	snop;
	(pc) =	sbr.rel @p2 .LBB2_1-.Ltmp2, $3  }
0x17e: {  	_ =	sdelay $0x1  }
0x17f: {  	[sflag:s10] =	ssyncset.done @!p0 $0x0  }
0x180: {  	[sflag:s10] =	ssyncadd.s32 @!p0 $0xFFFFFF80  }
0x181: {  	_ =	sfence.sel $0x180000  }
0x182: {  	[bflag:$0x0] =	sbarrier.arrive $0xFFFF  }
0x183: {  	_ =	strace $0x90000047  }
0x184: {  	s0 =	stileid.u32;
	[bflag:$0x2] =	sbarrier.arrive $0xFFFF  }
0x185: {  	p0 =	sne.s32 s0, $0x0;
	s0 =	rddreg [dreg:$0x6]  }
0x186: {  	s0 =	sadd.s32 @!p0 $0x100000, s0  }
0x187: {  	[sflag:s0] =	ssyncadd.tile.s32 @!p0 $0x1;
	_ =	shalt  }
.Lfunc_end2:
_tile_overlayer_lowered:
.L_overlay_start_2:
0x188: {  	(tag) =	ssettag $0x2  }
0x189: {  	s0 =	rddreg [dreg:$0x0];
	s2 =	stileid.u32  }
0x18a: {  	s1 =	rddreg [dreg:$0x1];
	p0 =	sne.s32 s2, $0x0  }
0x18b: {  	s3 =	rddreg [dreg:$0x2];
	[bflag:$0x3] =	sbarrier.arrive $0xFFFF;
	s2 =	simm.s32 @!p0 $0x1C09  }
0x18c: {  	[timem:s3], [sflag:s2] =	dma.local @!p0 [hbm:s0], s1  }
0x18d: {  	s0 =	simm.s32 @!p0 $0x9  }
0x18e: {  	_ =	swait.ge @!p0 [sflag:s0], s1  }
0x18f: {  	s1 =	ssub.s32 @!p0 $0x0, s1;
	[sflag:s0] =	ssyncset.done @!p0 $0x0  }
0x190: {  	[sflag:s0] =	ssyncadd.s32 @!p0 s1  }
0x191: {  	[bflag:$0x3] =	sbarrier.arrive $0xFFFF  }
0x192: {  	_ =	shalt  }

</sc_bundles>
